<compile_context>
chip_gen: v7x
topology: tpu7x:2x2x1
jax: 0.10.2.dev20260603
libtpu: 0.0.44.dev20260713+nightly
codegen_flags: <defaults>
</compile_context>

<pallas_src>
import functools

import jax
import jax.numpy as jnp
from jax import lax
from jax.experimental import pallas as pl
from jax.experimental.pallas import tpu as pltpu
from jax.experimental.pallas import tpu_sc as plsc

B = 4096
D = 32
L = 16
NC = 2
NS = 16
NW = NC * NS
UB = B // NW
IB = B // NS
IC = 128

_mesh = plsc.VectorSubcoreMesh(core_axis_name="c", subcore_axis_name="s")


@functools.partial(
    pl.kernel,
    out_type=jax.ShapeDtypeStruct((B,), jnp.float32),
    mesh=_mesh,
    compiler_params=pltpu.CompilerParams(needs_layout_passes=False,
                                         use_tc_tiling_on_sc=False),
    scratch_types=[
        pltpu.VMEM((IC,), jnp.int32),
        pltpu.VMEM((IC,), jnp.int32),
        pltpu.VMEM((UB,), jnp.int32),
        pltpu.VMEM((IC, D), jnp.float32),
        pltpu.VMEM((IC, D), jnp.float32),
        pltpu.VMEM((UB, D), jnp.float32),
        pltpu.VMEM((D,), jnp.float32),
        pltpu.VMEM_SHARED((NS * D,), jnp.float32),
        pltpu.VMEM((NS * D,), jnp.float32),
        pltpu.VMEM((L + D,), jnp.float32),
        pltpu.VMEM((UB,), jnp.float32),
        pltpu.SemaphoreType.DMA,
        pltpu.SemaphoreType.DMA,
        pltpu.SemaphoreType.DMA,
    ],
)
def _mf_sc_kernel(users_hbm, items_hbm, uemb_hbm, iemb_hbm, out_hbm,
                  iidx0_v, iidx1_v, uidx_v, irows0_v, irows1_v, urows_v,
                  part_v, part_sh, parts_v, s_v, out_v,
                  sem_i0, sem_i1, sem_u):
    c = lax.axis_index("c")
    s = lax.axis_index("s")
    wid = s * NC + c
    iota16 = lax.iota(jnp.int32, L)

    pltpu.sync_copy(items_hbm.at[pl.ds(s * IB, IC)], iidx0_v)
    pltpu.sync_copy(items_hbm.at[pl.ds(s * IB + IC, IC)], iidx1_v)
    pltpu.sync_copy(users_hbm.at[pl.ds(wid * UB, UB)], uidx_v)
    cp_i0 = pltpu.async_copy(iemb_hbm.at[iidx0_v], irows0_v, sem_i0)
    cp_i1 = pltpu.async_copy(iemb_hbm.at[iidx1_v], irows1_v, sem_i1)
    cp_u = pltpu.async_copy(uemb_hbm.at[uidx_v], urows_v, sem_u)

    def _row_sum(rows_ref, i, a0, a1):
        return a0 + rows_ref[i, pl.ds(0, L)], a1 + rows_ref[i, pl.ds(L, L)]

    cp_i0.wait()
    def body0(i, carry):
        a0, a1 = carry
        return _row_sum(irows0_v, i, a0, a1)
    a0, a1 = lax.fori_loop(0, IC, body0, (jnp.zeros((L,), jnp.float32),
                                          jnp.zeros((L,), jnp.float32)))
    cp_i1.wait()
    def body1(i, carry):
        a0, a1 = carry
        return _row_sum(irows1_v, i, a0, a1)
    a0, a1 = lax.fori_loop(0, IC, body1, (a0, a1))

    part_v[pl.ds(0, L)] = a0
    part_v[pl.ds(L, L)] = a1

    pltpu.sync_copy(part_v, part_sh.at[pl.ds(s * D, D)])
    plsc.subcore_barrier()
    pltpu.sync_copy(part_sh, parts_v)

    def bodyp(w, carry):
        a0, a1 = carry
        return (a0 + parts_v[pl.ds(w * D, L)],
                a1 + parts_v[pl.ds(w * D + L, L)])
    s0, s1 = lax.fori_loop(0, NS, bodyp, (jnp.zeros((L,), jnp.float32),
                                          jnp.zeros((L,), jnp.float32)))
    s_v[pl.ds(L, L)] = s0
    s_v[pl.ds(2 * L, L)] = s1

    cp_u.wait()
    sd = [plsc.load_gather(s_v, [jnp.full((L,), L + d, jnp.int32)])
          for d in range(D)]

    def dot_body(g, carry):
        rowi = g * L + iota16
        acc = jnp.zeros((L,), jnp.float32)
        for d in range(D):
            col = plsc.load_gather(urows_v, [rowi, jnp.full((L,), d, jnp.int32)])
            acc = acc + col * sd[d]
        out_v[pl.ds(g * L, L)] = acc
        return carry

    lax.fori_loop(0, UB // L, dot_body, 0)
    pltpu.sync_copy(out_v, out_hbm.at[pl.ds(wid * UB, UB)])


def kernel(users, items, user_embeddings, item_embeddings):
    return _mf_sc_kernel(users.astype(jnp.int32), items.astype(jnp.int32),
                         user_embeddings.astype(jnp.float32),
                         item_embeddings.astype(jnp.float32))

# --- scband reference (transcript-rebuilt; emitter-appended) ---
"""Pipeline reference for scband-abstract-mf-49701361549798 (READ-ONLY COPY).

The authoritative reference and input builder live on the scoring server;
editing this copy changes nothing except your own understanding.
"""

import jax, jax.numpy as jnp
import numpy as np

NUM_USERS = 100000
NUM_ITEMS = 100000
DIM = 32
BATCH = 4096

def setup_inputs(seed: int = 0) -> dict:
    key = jax.random.key(seed)
    k1, k2, k3, k4 = jax.random.split(key, 4)
    users = jax.random.randint(k1, (BATCH,), 0, NUM_USERS, dtype=jnp.int64 if jax.config.jax_enable_x64 else jnp.int32)
    items = jax.random.randint(k2, (BATCH,), 0, NUM_ITEMS, dtype=jnp.int64 if jax.config.jax_enable_x64 else jnp.int32)
    user_embeddings = jax.random.normal(k3, (NUM_USERS, DIM), dtype=jnp.float32) * 0.05
    item_embeddings = jax.random.normal(k4, (NUM_ITEMS, DIM), dtype=jnp.float32) * 0.05
    return {"users": users, "items": items, "user_embeddings": user_embeddings, "item_embeddings": item_embeddings}

def reference(users, items, user_embeddings, item_embeddings):
    # u_embed = embedding_lookup(user_embeddings, users)
    u_embed = jnp.take(user_embeddings, users, axis=0)            # [B, dim]
    i_embed = jnp.take(item_embeddings, items, axis=0)            # [B, dim]
    # r_hats = reduce_sum(matmul(u_embed, i_embed^T), axis=1)
    # faithful to the original: full B x B matmul then row-sum
    r_hats = jnp.sum(jnp.matmul(u_embed, i_embed.T), axis=1)      # [B]
    return r_hats

if __name__ == "__main__":
    import jax
    _d = setup_inputs()
    print(jax.jit(kernel)(*tuple(_d.values())))

</pallas_src>

<mosaic_0001>
#map = affine_map<(d0, d1) -> (0)>
#map1 = affine_map<(d0, d1) -> (0, 0)>
module attributes {stable_mosaic.version = 14 : i64} {
  func.func @_mf_sc_kernel(%arg0: i32, %arg1: i32, %arg2: memref<4096xi32, #tpu.memory_space<hbm>>, %arg3: memref<4096xi32, #tpu.memory_space<hbm>>, %arg4: memref<100000x32xf32, #tpu.memory_space<hbm>>, %arg5: memref<100000x32xf32, #tpu.memory_space<hbm>>, %arg6: memref<4096xf32, #tpu.memory_space<hbm>>, %arg7: memref<128xi32, #tpu.memory_space<vmem>>, %arg8: memref<128xi32, #tpu.memory_space<vmem>>, %arg9: memref<128xi32, #tpu.memory_space<vmem>>, %arg10: memref<128x32xf32, #tpu.memory_space<vmem>>, %arg11: memref<128x32xf32, #tpu.memory_space<vmem>>, %arg12: memref<128x32xf32, #tpu.memory_space<vmem>>, %arg13: memref<32xf32, #tpu.memory_space<vmem>>, %arg14: memref<512xf32, #tpu.memory_space<vmem_shared>>, %arg15: memref<512xf32, #tpu.memory_space<vmem>>, %arg16: memref<48xf32, #tpu.memory_space<vmem>>, %arg17: memref<128xf32, #tpu.memory_space<vmem>>, %arg18: memref<!tpu.dma_semaphore, #tpu.memory_space<semaphore_mem>>, %arg19: memref<!tpu.dma_semaphore, #tpu.memory_space<semaphore_mem>>, %arg20: memref<!tpu.dma_semaphore, #tpu.memory_space<semaphore_mem>>) attributes {dimension_semantics = [#tpu.dimension_semantics<core_parallel>, #tpu.dimension_semantics<subcore_parallel>], iteration_bounds = array<i64: 2, 16>, scalar_prefetch = 0 : i64, scratch_operands = 14 : i64, tpu.core_type = #tpu.core_type<sc_vector_subcore>, window_params = [{transform_indices = #map}, {transform_indices = #map}, {transform_indices = #map1}, {transform_indices = #map1}, {transform_indices = #map}]} {
    %mul3A = arith.constant 2 : i32
    %mul3A_0 = arith.muli %arg1, %mul3A : i32
    %add3A = arith.addi %mul3A_0, %arg0 : i32
    %iota3A = tpu.iota {dimensions = array<i32: 0>} : vector<16xi32>
    %mul3A_1 = arith.constant 256 : i32
    %mul3A_2 = arith.muli %arg1, %mul3A_1 : i32
    "tpu.region"() ({
      %run_scoped3A = tpu.sem_alloc : memref<!tpu.dma_semaphore, #tpu.memory_space<semaphore_mem>>
      %dma_start3A_161 = tpu.memref_slice %arg3[%mul3A_2] : memref<4096xi32, #tpu.memory_space<hbm>> -> memref<128xi32, #tpu.memory_space<hbm>>
      %dma_start3A_162 = tpu.memref_slice %arg3[%mul3A_2] : memref<4096xi32, #tpu.memory_space<hbm>> -> memref<128xi32, #tpu.memory_space<hbm>>
      tpu.enqueue_dma source(%dma_start3A_162 : memref<128xi32, #tpu.memory_space<hbm>>) target(%arg7 : memref<128xi32, #tpu.memory_space<vmem>>) target_semaphore(%run_scoped3A : memref<!tpu.dma_semaphore, #tpu.memory_space<semaphore_mem>>)
      %dma_wait3A_163 = tpu.memref_slice %arg3[%mul3A_2] : memref<4096xi32, #tpu.memory_space<hbm>> -> memref<128xi32, #tpu.memory_space<hbm>>
      %dma_wait3A_164 = tpu.memref_slice %arg3[%mul3A_2] : memref<4096xi32, #tpu.memory_space<hbm>> -> memref<128xi32, #tpu.memory_space<hbm>>
      tpu.wait_dma2 semaphore(%run_scoped3A : memref<!tpu.dma_semaphore, #tpu.memory_space<semaphore_mem>>) src(%dma_wait3A_164 : memref<128xi32, #tpu.memory_space<hbm>>) dst(%arg7 : memref<128xi32, #tpu.memory_space<vmem>>)
      tpu.yield
    }) : () -> ()
    %mul3A_3 = arith.constant 256 : i32
    %mul3A_4 = arith.muli %arg1, %mul3A_3 : i32
    %add3A_5 = arith.constant 128 : i32
    %add3A_6 = arith.addi %mul3A_4, %add3A_5 : i32
    "tpu.region"() ({
      %run_scoped3A = tpu.sem_alloc : memref<!tpu.dma_semaphore, #tpu.memory_space<semaphore_mem>>
      %dma_start3A_161 = tpu.memref_slice %arg3[%add3A_6] : memref<4096xi32, #tpu.memory_space<hbm>> -> memref<128xi32, #tpu.memory_space<hbm>>
      %dma_start3A_162 = tpu.memref_slice %arg3[%add3A_6] : memref<4096xi32, #tpu.memory_space<hbm>> -> memref<128xi32, #tpu.memory_space<hbm>>
      tpu.enqueue_dma source(%dma_start3A_162 : memref<128xi32, #tpu.memory_space<hbm>>) target(%arg8 : memref<128xi32, #tpu.memory_space<vmem>>) target_semaphore(%run_scoped3A : memref<!tpu.dma_semaphore, #tpu.memory_space<semaphore_mem>>)
      %dma_wait3A_163 = tpu.memref_slice %arg3[%add3A_6] : memref<4096xi32, #tpu.memory_space<hbm>> -> memref<128xi32, #tpu.memory_space<hbm>>
      %dma_wait3A_164 = tpu.memref_slice %arg3[%add3A_6] : memref<4096xi32, #tpu.memory_space<hbm>> -> memref<128xi32, #tpu.memory_space<hbm>>
      tpu.wait_dma2 semaphore(%run_scoped3A : memref<!tpu.dma_semaphore, #tpu.memory_space<semaphore_mem>>) src(%dma_wait3A_164 : memref<128xi32, #tpu.memory_space<hbm>>) dst(%arg8 : memref<128xi32, #tpu.memory_space<vmem>>)
      tpu.yield
    }) : () -> ()
    %mul3A_7 = arith.constant 128 : i32
    %mul3A_8 = arith.muli %add3A, %mul3A_7 : i32
    "tpu.region"() ({
      %run_scoped3A = tpu.sem_alloc : memref<!tpu.dma_semaphore, #tpu.memory_space<semaphore_mem>>
      %dma_start3A_161 = tpu.memref_slice %arg2[%mul3A_8] : memref<4096xi32, #tpu.memory_space<hbm>> -> memref<128xi32, #tpu.memory_space<hbm>>
      %dma_start3A_162 = tpu.memref_slice %arg2[%mul3A_8] : memref<4096xi32, #tpu.memory_space<hbm>> -> memref<128xi32, #tpu.memory_space<hbm>>
      tpu.enqueue_dma source(%dma_start3A_162 : memref<128xi32, #tpu.memory_space<hbm>>) target(%arg9 : memref<128xi32, #tpu.memory_space<vmem>>) target_semaphore(%run_scoped3A : memref<!tpu.dma_semaphore, #tpu.memory_space<semaphore_mem>>)
      %dma_wait3A_163 = tpu.memref_slice %arg2[%mul3A_8] : memref<4096xi32, #tpu.memory_space<hbm>> -> memref<128xi32, #tpu.memory_space<hbm>>
      %dma_wait3A_164 = tpu.memref_slice %arg2[%mul3A_8] : memref<4096xi32, #tpu.memory_space<hbm>> -> memref<128xi32, #tpu.memory_space<hbm>>
      tpu.wait_dma2 semaphore(%run_scoped3A : memref<!tpu.dma_semaphore, #tpu.memory_space<semaphore_mem>>) src(%dma_wait3A_164 : memref<128xi32, #tpu.memory_space<hbm>>) dst(%arg9 : memref<128xi32, #tpu.memory_space<vmem>>)
      tpu.yield
    }) : () -> ()
    %dma_start3A = arith.constant 0 : i32
    %dma_start3A_9 = arith.constant 0 : i32
    %dma_start3A_10 = tpu.memref_slice %arg5[%dma_start3A, %dma_start3A_9] : memref<100000x32xf32, #tpu.memory_space<hbm>> -> memref<100000x32xf32, #tpu.memory_space<hbm>>
    tpu.enqueue_indirect_dma source(%dma_start3A_10 : memref<100000x32xf32, #tpu.memory_space<hbm>>) target(%arg10 : memref<128x32xf32, #tpu.memory_space<vmem>>) offsets(%arg7 : memref<128xi32, #tpu.memory_space<vmem>>) semaphore(%arg18 : memref<!tpu.dma_semaphore, #tpu.memory_space<semaphore_mem>>)
    %dma_start3A_11 = arith.constant 0 : i32
    %dma_start3A_12 = arith.constant 0 : i32
    %dma_start3A_13 = tpu.memref_slice %arg5[%dma_start3A_11, %dma_start3A_12] : memref<100000x32xf32, #tpu.memory_space<hbm>> -> memref<100000x32xf32, #tpu.memory_space<hbm>>
    tpu.enqueue_indirect_dma source(%dma_start3A_13 : memref<100000x32xf32, #tpu.memory_space<hbm>>) target(%arg11 : memref<128x32xf32, #tpu.memory_space<vmem>>) offsets(%arg8 : memref<128xi32, #tpu.memory_space<vmem>>) semaphore(%arg19 : memref<!tpu.dma_semaphore, #tpu.memory_space<semaphore_mem>>)
    %dma_start3A_14 = arith.constant 0 : i32
    %dma_start3A_15 = arith.constant 0 : i32
    %dma_start3A_16 = tpu.memref_slice %arg4[%dma_start3A_14, %dma_start3A_15] : memref<100000x32xf32, #tpu.memory_space<hbm>> -> memref<100000x32xf32, #tpu.memory_space<hbm>>
    tpu.enqueue_indirect_dma source(%dma_start3A_16 : memref<100000x32xf32, #tpu.memory_space<hbm>>) target(%arg12 : memref<128x32xf32, #tpu.memory_space<vmem>>) offsets(%arg9 : memref<128xi32, #tpu.memory_space<vmem>>) semaphore(%arg20 : memref<!tpu.dma_semaphore, #tpu.memory_space<semaphore_mem>>)
    %dma_wait3A = arith.constant 0 : i32
    %dma_wait3A_17 = arith.constant 0 : i32
    %dma_wait3A_18 = tpu.memref_slice %arg5[%dma_wait3A, %dma_wait3A_17] : memref<100000x32xf32, #tpu.memory_space<hbm>> -> memref<100000x32xf32, #tpu.memory_space<hbm>>
    tpu.wait_indirect_dma semaphore(%arg18 : memref<!tpu.dma_semaphore, #tpu.memory_space<semaphore_mem>>) src(%dma_wait3A_18 : memref<100000x32xf32, #tpu.memory_space<hbm>>) dst(%arg10 : memref<128x32xf32, #tpu.memory_space<vmem>>)
    %broadcast_in_dim3A = arith.constant 0.000000e+00 : f32
    %broadcast_in_dim3A_19 = vector.broadcast %broadcast_in_dim3A : f32 to vector<16xf32>
    %broadcast_in_dim3A_20 = arith.constant 0.000000e+00 : f32
    %broadcast_in_dim3A_21 = vector.broadcast %broadcast_in_dim3A_20 : f32 to vector<16xf32>
    %scan3A = arith.constant 0 : i32
    %scan3A_22 = arith.constant 128 : i32
    %scan3A_23 = arith.addi %scan3A, %scan3A_22 : i32
    %scan3A_24 = arith.constant 1 : i32
    %scan3A_25:2 = scf.for %scan3A_161 = %scan3A to %scan3A_23 step %scan3A_24 iter_args(%scan3A_162 = %broadcast_in_dim3A_19, %scan3A_163 = %broadcast_in_dim3A_21) -> (vector<16xf32>, vector<16xf32>)  : i32 {
      %get3A = arith.index_cast %scan3A_161 : i32 to index
      %get3A_164 = arith.constant 0 : index
      %get3A_165 = tpu.vector_load %arg10[%get3A, %get3A_164] {strides = array<i32>} : memref<128x32xf32, #tpu.memory_space<vmem>>, vector<16xf32>,
      %add3A_166 = arith.addf %scan3A_162, %get3A_165 : vector<16xf32>
      %get3A_167 = arith.index_cast %scan3A_161 : i32 to index
      %get3A_168 = arith.constant 16 : index
      %get3A_169 = tpu.vector_load %arg10[%get3A_167, %get3A_168] {strides = array<i32>} : memref<128x32xf32, #tpu.memory_space<vmem>>, vector<16xf32>,
      %add3A_170 = arith.addf %scan3A_163, %get3A_169 : vector<16xf32>
      scf.yield %add3A_166, %add3A_170 : vector<16xf32>, vector<16xf32>
    }
    %scan3A_26 = arith.constant 128 : i32
    %dma_wait3A_27 = arith.constant 0 : i32
    %dma_wait3A_28 = arith.constant 0 : i32
    %dma_wait3A_29 = tpu.memref_slice %arg5[%dma_wait3A_27, %dma_wait3A_28] : memref<100000x32xf32, #tpu.memory_space<hbm>> -> memref<100000x32xf32, #tpu.memory_space<hbm>>
    tpu.wait_indirect_dma semaphore(%arg19 : memref<!tpu.dma_semaphore, #tpu.memory_space<semaphore_mem>>) src(%dma_wait3A_29 : memref<100000x32xf32, #tpu.memory_space<hbm>>) dst(%arg11 : memref<128x32xf32, #tpu.memory_space<vmem>>)
    %scan3A_30 = arith.constant 0 : i32
    %scan3A_31 = arith.constant 128 : i32
    %scan3A_32 = arith.addi %scan3A_30, %scan3A_31 : i32
    %scan3A_33 = arith.constant 1 : i32
    %scan3A_34:2 = scf.for %scan3A_161 = %scan3A_30 to %scan3A_32 step %scan3A_33 iter_args(%scan3A_162 = %scan3A_25#0, %scan3A_163 = %scan3A_25#1) -> (vector<16xf32>, vector<16xf32>)  : i32 {
      %get3A = arith.index_cast %scan3A_161 : i32 to index
      %get3A_164 = arith.constant 0 : index
      %get3A_165 = tpu.vector_load %arg11[%get3A, %get3A_164] {strides = array<i32>} : memref<128x32xf32, #tpu.memory_space<vmem>>, vector<16xf32>,
      %add3A_166 = arith.addf %scan3A_162, %get3A_165 : vector<16xf32>
      %get3A_167 = arith.index_cast %scan3A_161 : i32 to index
      %get3A_168 = arith.constant 16 : index
      %get3A_169 = tpu.vector_load %arg11[%get3A_167, %get3A_168] {strides = array<i32>} : memref<128x32xf32, #tpu.memory_space<vmem>>, vector<16xf32>,
      %add3A_170 = arith.addf %scan3A_163, %get3A_169 : vector<16xf32>
      scf.yield %add3A_166, %add3A_170 : vector<16xf32>, vector<16xf32>
    }
    %scan3A_35 = arith.constant 128 : i32
    %swap3A = arith.constant 0 : index
    %swap3A_36 = tpu.vector_load %arg13[%swap3A] {strides = array<i32>} : memref<32xf32, #tpu.memory_space<vmem>>, vector<16xf32>,
    tpu.vector_store %arg13[%swap3A], %scan3A_34#0 {strides = array<i32>} : memref<32xf32, #tpu.memory_space<vmem>>, vector<16xf32>,
    %swap3A_37 = arith.constant 16 : index
    %swap3A_38 = tpu.vector_load %arg13[%swap3A_37] {strides = array<i32>} : memref<32xf32, #tpu.memory_space<vmem>>, vector<16xf32>,
    tpu.vector_store %arg13[%swap3A_37], %scan3A_34#1 {strides = array<i32>} : memref<32xf32, #tpu.memory_space<vmem>>, vector<16xf32>,
    %mul3A_39 = arith.constant 32 : i32
    %mul3A_40 = arith.muli %arg1, %mul3A_39 : i32
    "tpu.region"() ({
      %run_scoped3A = tpu.sem_alloc : memref<!tpu.dma_semaphore, #tpu.memory_space<semaphore_mem>>
      %dma_start3A_161 = tpu.memref_slice %arg14[%mul3A_40] : memref<512xf32, #tpu.memory_space<vmem_shared>> -> memref<32xf32, #tpu.memory_space<vmem_shared>>
      %dma_start3A_162 = tpu.memref_slice %arg14[%mul3A_40] : memref<512xf32, #tpu.memory_space<vmem_shared>> -> memref<32xf32, #tpu.memory_space<vmem_shared>>
      tpu.enqueue_dma source(%arg13 : memref<32xf32, #tpu.memory_space<vmem>>) target(%dma_start3A_162 : memref<32xf32, #tpu.memory_space<vmem_shared>>) target_semaphore(%run_scoped3A : memref<!tpu.dma_semaphore, #tpu.memory_space<semaphore_mem>>)
      %dma_wait3A_163 = tpu.memref_slice %arg14[%mul3A_40] : memref<512xf32, #tpu.memory_space<vmem_shared>> -> memref<32xf32, #tpu.memory_space<vmem_shared>>
      %dma_wait3A_164 = tpu.memref_slice %arg14[%mul3A_40] : memref<512xf32, #tpu.memory_space<vmem_shared>> -> memref<32xf32, #tpu.memory_space<vmem_shared>>
      tpu.wait_dma2 semaphore(%run_scoped3A : memref<!tpu.dma_semaphore, #tpu.memory_space<semaphore_mem>>) src(%arg13 : memref<32xf32, #tpu.memory_space<vmem>>) dst(%dma_wait3A_164 : memref<32xf32, #tpu.memory_space<vmem_shared>>)
      tpu.yield
    }) : () -> ()
    %barrier3A = arith.constant 0 : index
    tpu.barrier barrier_id(%barrier3A)
    "tpu.region"() ({
      %run_scoped3A = tpu.sem_alloc : memref<!tpu.dma_semaphore, #tpu.memory_space<semaphore_mem>>
      tpu.enqueue_dma source(%arg14 : memref<512xf32, #tpu.memory_space<vmem_shared>>) target(%arg15 : memref<512xf32, #tpu.memory_space<vmem>>) target_semaphore(%run_scoped3A : memref<!tpu.dma_semaphore, #tpu.memory_space<semaphore_mem>>)
      tpu.wait_dma2 semaphore(%run_scoped3A : memref<!tpu.dma_semaphore, #tpu.memory_space<semaphore_mem>>) src(%arg14 : memref<512xf32, #tpu.memory_space<vmem_shared>>) dst(%arg15 : memref<512xf32, #tpu.memory_space<vmem>>)
      tpu.yield
    }) : () -> ()
    %broadcast_in_dim3A_41 = arith.constant 0.000000e+00 : f32
    %broadcast_in_dim3A_42 = vector.broadcast %broadcast_in_dim3A_41 : f32 to vector<16xf32>
    %broadcast_in_dim3A_43 = arith.constant 0.000000e+00 : f32
    %broadcast_in_dim3A_44 = vector.broadcast %broadcast_in_dim3A_43 : f32 to vector<16xf32>
    %scan3A_45 = arith.constant 0 : i32
    %scan3A_46 = arith.constant 16 : i32
    %scan3A_47 = arith.addi %scan3A_45, %scan3A_46 : i32
    %scan3A_48 = arith.constant 1 : i32
    %scan3A_49:2 = scf.for %scan3A_161 = %scan3A_45 to %scan3A_47 step %scan3A_48 iter_args(%scan3A_162 = %broadcast_in_dim3A_42, %scan3A_163 = %broadcast_in_dim3A_44) -> (vector<16xf32>, vector<16xf32>)  : i32 {
      %mul3A_164 = arith.constant 32 : i32
      %mul3A_165 = arith.muli %scan3A_161, %mul3A_164 : i32
      %get3A = arith.index_cast %mul3A_165 : i32 to index
      %get3A_166 = tpu.vector_load %arg15[%get3A] {strides = array<i32>} : memref<512xf32, #tpu.memory_space<vmem>>, vector<16xf32>,
      %add3A_167 = arith.addf %scan3A_162, %get3A_166 : vector<16xf32>
      %mul3A_168 = arith.constant 32 : i32
      %mul3A_169 = arith.muli %scan3A_161, %mul3A_168 : i32
      %add3A_170 = arith.constant 16 : i32
      %add3A_171 = arith.addi %mul3A_169, %add3A_170 : i32
      %get3A_172 = arith.index_cast %add3A_171 : i32 to index
      %get3A_173 = tpu.vector_load %arg15[%get3A_172] {strides = array<i32>} : memref<512xf32, #tpu.memory_space<vmem>>, vector<16xf32>,
      %add3A_174 = arith.addf %scan3A_163, %get3A_173 : vector<16xf32>
      scf.yield %add3A_167, %add3A_174 : vector<16xf32>, vector<16xf32>
    }
    %scan3A_50 = arith.constant 16 : i32
    %swap3A_51 = arith.constant 16 : index
    %swap3A_52 = tpu.vector_load %arg16[%swap3A_51] {strides = array<i32>} : memref<48xf32, #tpu.memory_space<vmem>>, vector<16xf32>,
    tpu.vector_store %arg16[%swap3A_51], %scan3A_49#0 {strides = array<i32>} : memref<48xf32, #tpu.memory_space<vmem>>, vector<16xf32>,
    %swap3A_53 = arith.constant 32 : index
    %swap3A_54 = tpu.vector_load %arg16[%swap3A_53] {strides = array<i32>} : memref<48xf32, #tpu.memory_space<vmem>>, vector<16xf32>,
    tpu.vector_store %arg16[%swap3A_53], %scan3A_49#1 {strides = array<i32>} : memref<48xf32, #tpu.memory_space<vmem>>, vector<16xf32>,
    %dma_wait3A_55 = arith.constant 0 : i32
    %dma_wait3A_56 = arith.constant 0 : i32
    %dma_wait3A_57 = tpu.memref_slice %arg4[%dma_wait3A_55, %dma_wait3A_56] : memref<100000x32xf32, #tpu.memory_space<hbm>> -> memref<100000x32xf32, #tpu.memory_space<hbm>>
    tpu.wait_indirect_dma semaphore(%arg20 : memref<!tpu.dma_semaphore, #tpu.memory_space<semaphore_mem>>) src(%dma_wait3A_57 : memref<100000x32xf32, #tpu.memory_space<hbm>>) dst(%arg12 : memref<128x32xf32, #tpu.memory_space<vmem>>)
    %broadcast_in_dim3A_58 = arith.constant 16 : i32
    %broadcast_in_dim3A_59 = vector.broadcast %broadcast_in_dim3A_58 : i32 to vector<16xi32>
    %gather3A = tpu.vector_load_idx %arg16[%broadcast_in_dim3A_59] : memref<48xf32, #tpu.memory_space<vmem>>[vector<16xi32>], vector<16xf32>,
    %broadcast_in_dim3A_60 = arith.constant 17 : i32
    %broadcast_in_dim3A_61 = vector.broadcast %broadcast_in_dim3A_60 : i32 to vector<16xi32>
    %gather3A_62 = tpu.vector_load_idx %arg16[%broadcast_in_dim3A_61] : memref<48xf32, #tpu.memory_space<vmem>>[vector<16xi32>], vector<16xf32>,
    %broadcast_in_dim3A_63 = arith.constant 18 : i32
    %broadcast_in_dim3A_64 = vector.broadcast %broadcast_in_dim3A_63 : i32 to vector<16xi32>
    %gather3A_65 = tpu.vector_load_idx %arg16[%broadcast_in_dim3A_64] : memref<48xf32, #tpu.memory_space<vmem>>[vector<16xi32>], vector<16xf32>,
    %broadcast_in_dim3A_66 = arith.constant 19 : i32
    %broadcast_in_dim3A_67 = vector.broadcast %broadcast_in_dim3A_66 : i32 to vector<16xi32>
    %gather3A_68 = tpu.vector_load_idx %arg16[%broadcast_in_dim3A_67] : memref<48xf32, #tpu.memory_space<vmem>>[vector<16xi32>], vector<16xf32>,
    %broadcast_in_dim3A_69 = arith.constant 20 : i32
    %broadcast_in_dim3A_70 = vector.broadcast %broadcast_in_dim3A_69 : i32 to vector<16xi32>
    %gather3A_71 = tpu.vector_load_idx %arg16[%broadcast_in_dim3A_70] : memref<48xf32, #tpu.memory_space<vmem>>[vector<16xi32>], vector<16xf32>,
    %broadcast_in_dim3A_72 = arith.constant 21 : i32
    %broadcast_in_dim3A_73 = vector.broadcast %broadcast_in_dim3A_72 : i32 to vector<16xi32>
    %gather3A_74 = tpu.vector_load_idx %arg16[%broadcast_in_dim3A_73] : memref<48xf32, #tpu.memory_space<vmem>>[vector<16xi32>], vector<16xf32>,
    %broadcast_in_dim3A_75 = arith.constant 22 : i32
    %broadcast_in_dim3A_76 = vector.broadcast %broadcast_in_dim3A_75 : i32 to vector<16xi32>
    %gather3A_77 = tpu.vector_load_idx %arg16[%broadcast_in_dim3A_76] : memref<48xf32, #tpu.memory_space<vmem>>[vector<16xi32>], vector<16xf32>,
    %broadcast_in_dim3A_78 = arith.constant 23 : i32
    %broadcast_in_dim3A_79 = vector.broadcast %broadcast_in_dim3A_78 : i32 to vector<16xi32>
    %gather3A_80 = tpu.vector_load_idx %arg16[%broadcast_in_dim3A_79] : memref<48xf32, #tpu.memory_space<vmem>>[vector<16xi32>], vector<16xf32>,
    %broadcast_in_dim3A_81 = arith.constant 24 : i32
    %broadcast_in_dim3A_82 = vector.broadcast %broadcast_in_dim3A_81 : i32 to vector<16xi32>
    %gather3A_83 = tpu.vector_load_idx %arg16[%broadcast_in_dim3A_82] : memref<48xf32, #tpu.memory_space<vmem>>[vector<16xi32>], vector<16xf32>,
    %broadcast_in_dim3A_84 = arith.constant 25 : i32
    %broadcast_in_dim3A_85 = vector.broadcast %broadcast_in_dim3A_84 : i32 to vector<16xi32>
    %gather3A_86 = tpu.vector_load_idx %arg16[%broadcast_in_dim3A_85] : memref<48xf32, #tpu.memory_space<vmem>>[vector<16xi32>], vector<16xf32>,
    %broadcast_in_dim3A_87 = arith.constant 26 : i32
    %broadcast_in_dim3A_88 = vector.broadcast %broadcast_in_dim3A_87 : i32 to vector<16xi32>
    %gather3A_89 = tpu.vector_load_idx %arg16[%broadcast_in_dim3A_88] : memref<48xf32, #tpu.memory_space<vmem>>[vector<16xi32>], vector<16xf32>,
    %broadcast_in_dim3A_90 = arith.constant 27 : i32
    %broadcast_in_dim3A_91 = vector.broadcast %broadcast_in_dim3A_90 : i32 to vector<16xi32>
    %gather3A_92 = tpu.vector_load_idx %arg16[%broadcast_in_dim3A_91] : memref<48xf32, #tpu.memory_space<vmem>>[vector<16xi32>], vector<16xf32>,
    %broadcast_in_dim3A_93 = arith.constant 28 : i32
    %broadcast_in_dim3A_94 = vector.broadcast %broadcast_in_dim3A_93 : i32 to vector<16xi32>
    %gather3A_95 = tpu.vector_load_idx %arg16[%broadcast_in_dim3A_94] : memref<48xf32, #tpu.memory_space<vmem>>[vector<16xi32>], vector<16xf32>,
    %broadcast_in_dim3A_96 = arith.constant 29 : i32
    %broadcast_in_dim3A_97 = vector.broadcast %broadcast_in_dim3A_96 : i32 to vector<16xi32>
    %gather3A_98 = tpu.vector_load_idx %arg16[%broadcast_in_dim3A_97] : memref<48xf32, #tpu.memory_space<vmem>>[vector<16xi32>], vector<16xf32>,
    %broadcast_in_dim3A_99 = arith.constant 30 : i32
    %broadcast_in_dim3A_100 = vector.broadcast %broadcast_in_dim3A_99 : i32 to vector<16xi32>
    %gather3A_101 = tpu.vector_load_idx %arg16[%broadcast_in_dim3A_100] : memref<48xf32, #tpu.memory_space<vmem>>[vector<16xi32>], vector<16xf32>,
    %broadcast_in_dim3A_102 = arith.constant 31 : i32
    %broadcast_in_dim3A_103 = vector.broadcast %broadcast_in_dim3A_102 : i32 to vector<16xi32>
    %gather3A_104 = tpu.vector_load_idx %arg16[%broadcast_in_dim3A_103] : memref<48xf32, #tpu.memory_space<vmem>>[vector<16xi32>], vector<16xf32>,
    %broadcast_in_dim3A_105 = arith.constant 32 : i32
    %broadcast_in_dim3A_106 = vector.broadcast %broadcast_in_dim3A_105 : i32 to vector<16xi32>
    %gather3A_107 = tpu.vector_load_idx %arg16[%broadcast_in_dim3A_106] : memref<48xf32, #tpu.memory_space<vmem>>[vector<16xi32>], vector<16xf32>,
    %broadcast_in_dim3A_108 = arith.constant 33 : i32
    %broadcast_in_dim3A_109 = vector.broadcast %broadcast_in_dim3A_108 : i32 to vector<16xi32>
    %gather3A_110 = tpu.vector_load_idx %arg16[%broadcast_in_dim3A_109] : memref<48xf32, #tpu.memory_space<vmem>>[vector<16xi32>], vector<16xf32>,
    %broadcast_in_dim3A_111 = arith.constant 34 : i32
    %broadcast_in_dim3A_112 = vector.broadcast %broadcast_in_dim3A_111 : i32 to vector<16xi32>
    %gather3A_113 = tpu.vector_load_idx %arg16[%broadcast_in_dim3A_112] : memref<48xf32, #tpu.memory_space<vmem>>[vector<16xi32>], vector<16xf32>,
    %broadcast_in_dim3A_114 = arith.constant 35 : i32
    %broadcast_in_dim3A_115 = vector.broadcast %broadcast_in_dim3A_114 : i32 to vector<16xi32>
    %gather3A_116 = tpu.vector_load_idx %arg16[%broadcast_in_dim3A_115] : memref<48xf32, #tpu.memory_space<vmem>>[vector<16xi32>], vector<16xf32>,
    %broadcast_in_dim3A_117 = arith.constant 36 : i32
    %broadcast_in_dim3A_118 = vector.broadcast %broadcast_in_dim3A_117 : i32 to vector<16xi32>
    %gather3A_119 = tpu.vector_load_idx %arg16[%broadcast_in_dim3A_118] : memref<48xf32, #tpu.memory_space<vmem>>[vector<16xi32>], vector<16xf32>,
    %broadcast_in_dim3A_120 = arith.constant 37 : i32
    %broadcast_in_dim3A_121 = vector.broadcast %broadcast_in_dim3A_120 : i32 to vector<16xi32>
    %gather3A_122 = tpu.vector_load_idx %arg16[%broadcast_in_dim3A_121] : memref<48xf32, #tpu.memory_space<vmem>>[vector<16xi32>], vector<16xf32>,
    %broadcast_in_dim3A_123 = arith.constant 38 : i32
    %broadcast_in_dim3A_124 = vector.broadcast %broadcast_in_dim3A_123 : i32 to vector<16xi32>
    %gather3A_125 = tpu.vector_load_idx %arg16[%broadcast_in_dim3A_124] : memref<48xf32, #tpu.memory_space<vmem>>[vector<16xi32>], vector<16xf32>,
    %broadcast_in_dim3A_126 = arith.constant 39 : i32
    %broadcast_in_dim3A_127 = vector.broadcast %broadcast_in_dim3A_126 : i32 to vector<16xi32>
    %gather3A_128 = tpu.vector_load_idx %arg16[%broadcast_in_dim3A_127] : memref<48xf32, #tpu.memory_space<vmem>>[vector<16xi32>], vector<16xf32>,
    %broadcast_in_dim3A_129 = arith.constant 40 : i32
    %broadcast_in_dim3A_130 = vector.broadcast %broadcast_in_dim3A_129 : i32 to vector<16xi32>
    %gather3A_131 = tpu.vector_load_idx %arg16[%broadcast_in_dim3A_130] : memref<48xf32, #tpu.memory_space<vmem>>[vector<16xi32>], vector<16xf32>,
    %broadcast_in_dim3A_132 = arith.constant 41 : i32
    %broadcast_in_dim3A_133 = vector.broadcast %broadcast_in_dim3A_132 : i32 to vector<16xi32>
    %gather3A_134 = tpu.vector_load_idx %arg16[%broadcast_in_dim3A_133] : memref<48xf32, #tpu.memory_space<vmem>>[vector<16xi32>], vector<16xf32>,
    %broadcast_in_dim3A_135 = arith.constant 42 : i32
    %broadcast_in_dim3A_136 = vector.broadcast %broadcast_in_dim3A_135 : i32 to vector<16xi32>
    %gather3A_137 = tpu.vector_load_idx %arg16[%broadcast_in_dim3A_136] : memref<48xf32, #tpu.memory_space<vmem>>[vector<16xi32>], vector<16xf32>,
    %broadcast_in_dim3A_138 = arith.constant 43 : i32
    %broadcast_in_dim3A_139 = vector.broadcast %broadcast_in_dim3A_138 : i32 to vector<16xi32>
    %gather3A_140 = tpu.vector_load_idx %arg16[%broadcast_in_dim3A_139] : memref<48xf32, #tpu.memory_space<vmem>>[vector<16xi32>], vector<16xf32>,
    %broadcast_in_dim3A_141 = arith.constant 44 : i32
    %broadcast_in_dim3A_142 = vector.broadcast %broadcast_in_dim3A_141 : i32 to vector<16xi32>
    %gather3A_143 = tpu.vector_load_idx %arg16[%broadcast_in_dim3A_142] : memref<48xf32, #tpu.memory_space<vmem>>[vector<16xi32>], vector<16xf32>,
    %broadcast_in_dim3A_144 = arith.constant 45 : i32
    %broadcast_in_dim3A_145 = vector.broadcast %broadcast_in_dim3A_144 : i32 to vector<16xi32>
    %gather3A_146 = tpu.vector_load_idx %arg16[%broadcast_in_dim3A_145] : memref<48xf32, #tpu.memory_space<vmem>>[vector<16xi32>], vector<16xf32>,
    %broadcast_in_dim3A_147 = arith.constant 46 : i32
    %broadcast_in_dim3A_148 = vector.broadcast %broadcast_in_dim3A_147 : i32 to vector<16xi32>
    %gather3A_149 = tpu.vector_load_idx %arg16[%broadcast_in_dim3A_148] : memref<48xf32, #tpu.memory_space<vmem>>[vector<16xi32>], vector<16xf32>,
    %broadcast_in_dim3A_150 = arith.constant 47 : i32
    %broadcast_in_dim3A_151 = vector.broadcast %broadcast_in_dim3A_150 : i32 to vector<16xi32>
    %gather3A_152 = tpu.vector_load_idx %arg16[%broadcast_in_dim3A_151] : memref<48xf32, #tpu.memory_space<vmem>>[vector<16xi32>], vector<16xf32>,
    %scan3A_153 = arith.constant 0 : i32
    %scan3A_154 = arith.constant 0 : i32
    %scan3A_155 = arith.constant 8 : i32
    %scan3A_156 = arith.addi %scan3A_154, %scan3A_155 : i32
    %scan3A_157 = arith.constant 1 : i32
    scf.for %scan3A_161 = %scan3A_154 to %scan3A_156 step %scan3A_157  : i32 {
      %mul3A_162 = arith.constant 16 : i32
      %mul3A_163 = arith.muli %scan3A_161, %mul3A_162 : i32
      %add3A_164 = vector.broadcast %mul3A_163 : i32 to vector<16xi32>
      %add3A_165 = arith.addi %add3A_164, %iota3A : vector<16xi32>
      %broadcast_in_dim3A_166 = arith.constant 0.000000e+00 : f32
      %broadcast_in_dim3A_167 = vector.broadcast %broadcast_in_dim3A_166 : f32 to vector<16xf32>
      %broadcast_in_dim3A_168 = arith.constant 0 : i32
      %broadcast_in_dim3A_169 = vector.broadcast %broadcast_in_dim3A_168 : i32 to vector<16xi32>
      %gather3A_170 = tpu.vector_load_idx %arg12[%add3A_165, %broadcast_in_dim3A_169] : memref<128x32xf32, #tpu.memory_space<vmem>>[vector<16xi32>, vector<16xi32>], vector<16xf32>,
      %mul3A_171 = arith.mulf %gather3A_170, %gather3A : vector<16xf32>
      %add3A_172 = arith.addf %broadcast_in_dim3A_167, %mul3A_171 : vector<16xf32>
      %broadcast_in_dim3A_173 = arith.constant 1 : i32
      %broadcast_in_dim3A_174 = vector.broadcast %broadcast_in_dim3A_173 : i32 to vector<16xi32>
      %gather3A_175 = tpu.vector_load_idx %arg12[%add3A_165, %broadcast_in_dim3A_174] : memref<128x32xf32, #tpu.memory_space<vmem>>[vector<16xi32>, vector<16xi32>], vector<16xf32>,
      %mul3A_176 = arith.mulf %gather3A_175, %gather3A_62 : vector<16xf32>
      %add3A_177 = arith.addf %add3A_172, %mul3A_176 : vector<16xf32>
      %broadcast_in_dim3A_178 = arith.constant 2 : i32
      %broadcast_in_dim3A_179 = vector.broadcast %broadcast_in_dim3A_178 : i32 to vector<16xi32>
      %gather3A_180 = tpu.vector_load_idx %arg12[%add3A_165, %broadcast_in_dim3A_179] : memref<128x32xf32, #tpu.memory_space<vmem>>[vector<16xi32>, vector<16xi32>], vector<16xf32>,
      %mul3A_181 = arith.mulf %gather3A_180, %gather3A_65 : vector<16xf32>
      %add3A_182 = arith.addf %add3A_177, %mul3A_181 : vector<16xf32>
      %broadcast_in_dim3A_183 = arith.constant 3 : i32
      %broadcast_in_dim3A_184 = vector.broadcast %broadcast_in_dim3A_183 : i32 to vector<16xi32>
      %gather3A_185 = tpu.vector_load_idx %arg12[%add3A_165, %broadcast_in_dim3A_184] : memref<128x32xf32, #tpu.memory_space<vmem>>[vector<16xi32>, vector<16xi32>], vector<16xf32>,
      %mul3A_186 = arith.mulf %gather3A_185, %gather3A_68 : vector<16xf32>
      %add3A_187 = arith.addf %add3A_182, %mul3A_186 : vector<16xf32>
      %broadcast_in_dim3A_188 = arith.constant 4 : i32
      %broadcast_in_dim3A_189 = vector.broadcast %broadcast_in_dim3A_188 : i32 to vector<16xi32>
      %gather3A_190 = tpu.vector_load_idx %arg12[%add3A_165, %broadcast_in_dim3A_189] : memref<128x32xf32, #tpu.memory_space<vmem>>[vector<16xi32>, vector<16xi32>], vector<16xf32>,
      %mul3A_191 = arith.mulf %gather3A_190, %gather3A_71 : vector<16xf32>
      %add3A_192 = arith.addf %add3A_187, %mul3A_191 : vector<16xf32>
      %broadcast_in_dim3A_193 = arith.constant 5 : i32
      %broadcast_in_dim3A_194 = vector.broadcast %broadcast_in_dim3A_193 : i32 to vector<16xi32>
      %gather3A_195 = tpu.vector_load_idx %arg12[%add3A_165, %broadcast_in_dim3A_194] : memref<128x32xf32, #tpu.memory_space<vmem>>[vector<16xi32>, vector<16xi32>], vector<16xf32>,
      %mul3A_196 = arith.mulf %gather3A_195, %gather3A_74 : vector<16xf32>
      %add3A_197 = arith.addf %add3A_192, %mul3A_196 : vector<16xf32>
      %broadcast_in_dim3A_198 = arith.constant 6 : i32
      %broadcast_in_dim3A_199 = vector.broadcast %broadcast_in_dim3A_198 : i32 to vector<16xi32>
      %gather3A_200 = tpu.vector_load_idx %arg12[%add3A_165, %broadcast_in_dim3A_199] : memref<128x32xf32, #tpu.memory_space<vmem>>[vector<16xi32>, vector<16xi32>], vector<16xf32>,
      %mul3A_201 = arith.mulf %gather3A_200, %gather3A_77 : vector<16xf32>
      %add3A_202 = arith.addf %add3A_197, %mul3A_201 : vector<16xf32>
      %broadcast_in_dim3A_203 = arith.constant 7 : i32
      %broadcast_in_dim3A_204 = vector.broadcast %broadcast_in_dim3A_203 : i32 to vector<16xi32>
      %gather3A_205 = tpu.vector_load_idx %arg12[%add3A_165, %broadcast_in_dim3A_204] : memref<128x32xf32, #tpu.memory_space<vmem>>[vector<16xi32>, vector<16xi32>], vector<16xf32>,
      %mul3A_206 = arith.mulf %gather3A_205, %gather3A_80 : vector<16xf32>
      %add3A_207 = arith.addf %add3A_202, %mul3A_206 : vector<16xf32>
      %broadcast_in_dim3A_208 = arith.constant 8 : i32
      %broadcast_in_dim3A_209 = vector.broadcast %broadcast_in_dim3A_208 : i32 to vector<16xi32>
      %gather3A_210 = tpu.vector_load_idx %arg12[%add3A_165, %broadcast_in_dim3A_209] : memref<128x32xf32, #tpu.memory_space<vmem>>[vector<16xi32>, vector<16xi32>], vector<16xf32>,
      %mul3A_211 = arith.mulf %gather3A_210, %gather3A_83 : vector<16xf32>
      %add3A_212 = arith.addf %add3A_207, %mul3A_211 : vector<16xf32>
      %broadcast_in_dim3A_213 = arith.constant 9 : i32
      %broadcast_in_dim3A_214 = vector.broadcast %broadcast_in_dim3A_213 : i32 to vector<16xi32>
      %gather3A_215 = tpu.vector_load_idx %arg12[%add3A_165, %broadcast_in_dim3A_214] : memref<128x32xf32, #tpu.memory_space<vmem>>[vector<16xi32>, vector<16xi32>], vector<16xf32>,
      %mul3A_216 = arith.mulf %gather3A_215, %gather3A_86 : vector<16xf32>
      %add3A_217 = arith.addf %add3A_212, %mul3A_216 : vector<16xf32>
      %broadcast_in_dim3A_218 = arith.constant 10 : i32
      %broadcast_in_dim3A_219 = vector.broadcast %broadcast_in_dim3A_218 : i32 to vector<16xi32>
      %gather3A_220 = tpu.vector_load_idx %arg12[%add3A_165, %broadcast_in_dim3A_219] : memref<128x32xf32, #tpu.memory_space<vmem>>[vector<16xi32>, vector<16xi32>], vector<16xf32>,
      %mul3A_221 = arith.mulf %gather3A_220, %gather3A_89 : vector<16xf32>
      %add3A_222 = arith.addf %add3A_217, %mul3A_221 : vector<16xf32>
      %broadcast_in_dim3A_223 = arith.constant 11 : i32
      %broadcast_in_dim3A_224 = vector.broadcast %broadcast_in_dim3A_223 : i32 to vector<16xi32>
      %gather3A_225 = tpu.vector_load_idx %arg12[%add3A_165, %broadcast_in_dim3A_224] : memref<128x32xf32, #tpu.memory_space<vmem>>[vector<16xi32>, vector<16xi32>], vector<16xf32>,
      %mul3A_226 = arith.mulf %gather3A_225, %gather3A_92 : vector<16xf32>
      %add3A_227 = arith.addf %add3A_222, %mul3A_226 : vector<16xf32>
      %broadcast_in_dim3A_228 = arith.constant 12 : i32
      %broadcast_in_dim3A_229 = vector.broadcast %broadcast_in_dim3A_228 : i32 to vector<16xi32>
      %gather3A_230 = tpu.vector_load_idx %arg12[%add3A_165, %broadcast_in_dim3A_229] : memref<128x32xf32, #tpu.memory_space<vmem>>[vector<16xi32>, vector<16xi32>], vector<16xf32>,
      %mul3A_231 = arith.mulf %gather3A_230, %gather3A_95 : vector<16xf32>
      %add3A_232 = arith.addf %add3A_227, %mul3A_231 : vector<16xf32>
      %broadcast_in_dim3A_233 = arith.constant 13 : i32
      %broadcast_in_dim3A_234 = vector.broadcast %broadcast_in_dim3A_233 : i32 to vector<16xi32>
      %gather3A_235 = tpu.vector_load_idx %arg12[%add3A_165, %broadcast_in_dim3A_234] : memref<128x32xf32, #tpu.memory_space<vmem>>[vector<16xi32>, vector<16xi32>], vector<16xf32>,
      %mul3A_236 = arith.mulf %gather3A_235, %gather3A_98 : vector<16xf32>
      %add3A_237 = arith.addf %add3A_232, %mul3A_236 : vector<16xf32>
      %broadcast_in_dim3A_238 = arith.constant 14 : i32
      %broadcast_in_dim3A_239 = vector.broadcast %broadcast_in_dim3A_238 : i32 to vector<16xi32>
      %gather3A_240 = tpu.vector_load_idx %arg12[%add3A_165, %broadcast_in_dim3A_239] : memref<128x32xf32, #tpu.memory_space<vmem>>[vector<16xi32>, vector<16xi32>], vector<16xf32>,
      %mul3A_241 = arith.mulf %gather3A_240, %gather3A_101 : vector<16xf32>
      %add3A_242 = arith.addf %add3A_237, %mul3A_241 : vector<16xf32>
      %broadcast_in_dim3A_243 = arith.constant 15 : i32
      %broadcast_in_dim3A_244 = vector.broadcast %broadcast_in_dim3A_243 : i32 to vector<16xi32>
      %gather3A_245 = tpu.vector_load_idx %arg12[%add3A_165, %broadcast_in_dim3A_244] : memref<128x32xf32, #tpu.memory_space<vmem>>[vector<16xi32>, vector<16xi32>], vector<16xf32>,
      %mul3A_246 = arith.mulf %gather3A_245, %gather3A_104 : vector<16xf32>
      %add3A_247 = arith.addf %add3A_242, %mul3A_246 : vector<16xf32>
      %broadcast_in_dim3A_248 = arith.constant 16 : i32
      %broadcast_in_dim3A_249 = vector.broadcast %broadcast_in_dim3A_248 : i32 to vector<16xi32>
      %gather3A_250 = tpu.vector_load_idx %arg12[%add3A_165, %broadcast_in_dim3A_249] : memref<128x32xf32, #tpu.memory_space<vmem>>[vector<16xi32>, vector<16xi32>], vector<16xf32>,
      %mul3A_251 = arith.mulf %gather3A_250, %gather3A_107 : vector<16xf32>
      %add3A_252 = arith.addf %add3A_247, %mul3A_251 : vector<16xf32>
      %broadcast_in_dim3A_253 = arith.constant 17 : i32
      %broadcast_in_dim3A_254 = vector.broadcast %broadcast_in_dim3A_253 : i32 to vector<16xi32>
      %gather3A_255 = tpu.vector_load_idx %arg12[%add3A_165, %broadcast_in_dim3A_254] : memref<128x32xf32, #tpu.memory_space<vmem>>[vector<16xi32>, vector<16xi32>], vector<16xf32>,
      %mul3A_256 = arith.mulf %gather3A_255, %gather3A_110 : vector<16xf32>
      %add3A_257 = arith.addf %add3A_252, %mul3A_256 : vector<16xf32>
      %broadcast_in_dim3A_258 = arith.constant 18 : i32
      %broadcast_in_dim3A_259 = vector.broadcast %broadcast_in_dim3A_258 : i32 to vector<16xi32>
      %gather3A_260 = tpu.vector_load_idx %arg12[%add3A_165, %broadcast_in_dim3A_259] : memref<128x32xf32, #tpu.memory_space<vmem>>[vector<16xi32>, vector<16xi32>], vector<16xf32>,
      %mul3A_261 = arith.mulf %gather3A_260, %gather3A_113 : vector<16xf32>
      %add3A_262 = arith.addf %add3A_257, %mul3A_261 : vector<16xf32>
      %broadcast_in_dim3A_263 = arith.constant 19 : i32
      %broadcast_in_dim3A_264 = vector.broadcast %broadcast_in_dim3A_263 : i32 to vector<16xi32>
      %gather3A_265 = tpu.vector_load_idx %arg12[%add3A_165, %broadcast_in_dim3A_264] : memref<128x32xf32, #tpu.memory_space<vmem>>[vector<16xi32>, vector<16xi32>], vector<16xf32>,
      %mul3A_266 = arith.mulf %gather3A_265, %gather3A_116 : vector<16xf32>
      %add3A_267 = arith.addf %add3A_262, %mul3A_266 : vector<16xf32>
      %broadcast_in_dim3A_268 = arith.constant 20 : i32
      %broadcast_in_dim3A_269 = vector.broadcast %broadcast_in_dim3A_268 : i32 to vector<16xi32>
      %gather3A_270 = tpu.vector_load_idx %arg12[%add3A_165, %broadcast_in_dim3A_269] : memref<128x32xf32, #tpu.memory_space<vmem>>[vector<16xi32>, vector<16xi32>], vector<16xf32>,
      %mul3A_271 = arith.mulf %gather3A_270, %gather3A_119 : vector<16xf32>
      %add3A_272 = arith.addf %add3A_267, %mul3A_271 : vector<16xf32>
      %broadcast_in_dim3A_273 = arith.constant 21 : i32
      %broadcast_in_dim3A_274 = vector.broadcast %broadcast_in_dim3A_273 : i32 to vector<16xi32>
      %gather3A_275 = tpu.vector_load_idx %arg12[%add3A_165, %broadcast_in_dim3A_274] : memref<128x32xf32, #tpu.memory_space<vmem>>[vector<16xi32>, vector<16xi32>], vector<16xf32>,
      %mul3A_276 = arith.mulf %gather3A_275, %gather3A_122 : vector<16xf32>
      %add3A_277 = arith.addf %add3A_272, %mul3A_276 : vector<16xf32>
      %broadcast_in_dim3A_278 = arith.constant 22 : i32
      %broadcast_in_dim3A_279 = vector.broadcast %broadcast_in_dim3A_278 : i32 to vector<16xi32>
      %gather3A_280 = tpu.vector_load_idx %arg12[%add3A_165, %broadcast_in_dim3A_279] : memref<128x32xf32, #tpu.memory_space<vmem>>[vector<16xi32>, vector<16xi32>], vector<16xf32>,
      %mul3A_281 = arith.mulf %gather3A_280, %gather3A_125 : vector<16xf32>
      %add3A_282 = arith.addf %add3A_277, %mul3A_281 : vector<16xf32>
      %broadcast_in_dim3A_283 = arith.constant 23 : i32
      %broadcast_in_dim3A_284 = vector.broadcast %broadcast_in_dim3A_283 : i32 to vector<16xi32>
      %gather3A_285 = tpu.vector_load_idx %arg12[%add3A_165, %broadcast_in_dim3A_284] : memref<128x32xf32, #tpu.memory_space<vmem>>[vector<16xi32>, vector<16xi32>], vector<16xf32>,
      %mul3A_286 = arith.mulf %gather3A_285, %gather3A_128 : vector<16xf32>
      %add3A_287 = arith.addf %add3A_282, %mul3A_286 : vector<16xf32>
      %broadcast_in_dim3A_288 = arith.constant 24 : i32
      %broadcast_in_dim3A_289 = vector.broadcast %broadcast_in_dim3A_288 : i32 to vector<16xi32>
      %gather3A_290 = tpu.vector_load_idx %arg12[%add3A_165, %broadcast_in_dim3A_289] : memref<128x32xf32, #tpu.memory_space<vmem>>[vector<16xi32>, vector<16xi32>], vector<16xf32>,
      %mul3A_291 = arith.mulf %gather3A_290, %gather3A_131 : vector<16xf32>
      %add3A_292 = arith.addf %add3A_287, %mul3A_291 : vector<16xf32>
      %broadcast_in_dim3A_293 = arith.constant 25 : i32
      %broadcast_in_dim3A_294 = vector.broadcast %broadcast_in_dim3A_293 : i32 to vector<16xi32>
      %gather3A_295 = tpu.vector_load_idx %arg12[%add3A_165, %broadcast_in_dim3A_294] : memref<128x32xf32, #tpu.memory_space<vmem>>[vector<16xi32>, vector<16xi32>], vector<16xf32>,
      %mul3A_296 = arith.mulf %gather3A_295, %gather3A_134 : vector<16xf32>
      %add3A_297 = arith.addf %add3A_292, %mul3A_296 : vector<16xf32>
      %broadcast_in_dim3A_298 = arith.constant 26 : i32
      %broadcast_in_dim3A_299 = vector.broadcast %broadcast_in_dim3A_298 : i32 to vector<16xi32>
      %gather3A_300 = tpu.vector_load_idx %arg12[%add3A_165, %broadcast_in_dim3A_299] : memref<128x32xf32, #tpu.memory_space<vmem>>[vector<16xi32>, vector<16xi32>], vector<16xf32>,
      %mul3A_301 = arith.mulf %gather3A_300, %gather3A_137 : vector<16xf32>
      %add3A_302 = arith.addf %add3A_297, %mul3A_301 : vector<16xf32>
      %broadcast_in_dim3A_303 = arith.constant 27 : i32
      %broadcast_in_dim3A_304 = vector.broadcast %broadcast_in_dim3A_303 : i32 to vector<16xi32>
      %gather3A_305 = tpu.vector_load_idx %arg12[%add3A_165, %broadcast_in_dim3A_304] : memref<128x32xf32, #tpu.memory_space<vmem>>[vector<16xi32>, vector<16xi32>], vector<16xf32>,
      %mul3A_306 = arith.mulf %gather3A_305, %gather3A_140 : vector<16xf32>
      %add3A_307 = arith.addf %add3A_302, %mul3A_306 : vector<16xf32>
      %broadcast_in_dim3A_308 = arith.constant 28 : i32
      %broadcast_in_dim3A_309 = vector.broadcast %broadcast_in_dim3A_308 : i32 to vector<16xi32>
      %gather3A_310 = tpu.vector_load_idx %arg12[%add3A_165, %broadcast_in_dim3A_309] : memref<128x32xf32, #tpu.memory_space<vmem>>[vector<16xi32>, vector<16xi32>], vector<16xf32>,
      %mul3A_311 = arith.mulf %gather3A_310, %gather3A_143 : vector<16xf32>
      %add3A_312 = arith.addf %add3A_307, %mul3A_311 : vector<16xf32>
      %broadcast_in_dim3A_313 = arith.constant 29 : i32
      %broadcast_in_dim3A_314 = vector.broadcast %broadcast_in_dim3A_313 : i32 to vector<16xi32>
      %gather3A_315 = tpu.vector_load_idx %arg12[%add3A_165, %broadcast_in_dim3A_314] : memref<128x32xf32, #tpu.memory_space<vmem>>[vector<16xi32>, vector<16xi32>], vector<16xf32>,
      %mul3A_316 = arith.mulf %gather3A_315, %gather3A_146 : vector<16xf32>
      %add3A_317 = arith.addf %add3A_312, %mul3A_316 : vector<16xf32>
      %broadcast_in_dim3A_318 = arith.constant 30 : i32
      %broadcast_in_dim3A_319 = vector.broadcast %broadcast_in_dim3A_318 : i32 to vector<16xi32>
      %gather3A_320 = tpu.vector_load_idx %arg12[%add3A_165, %broadcast_in_dim3A_319] : memref<128x32xf32, #tpu.memory_space<vmem>>[vector<16xi32>, vector<16xi32>], vector<16xf32>,
      %mul3A_321 = arith.mulf %gather3A_320, %gather3A_149 : vector<16xf32>
      %add3A_322 = arith.addf %add3A_317, %mul3A_321 : vector<16xf32>
      %broadcast_in_dim3A_323 = arith.constant 31 : i32
      %broadcast_in_dim3A_324 = vector.broadcast %broadcast_in_dim3A_323 : i32 to vector<16xi32>
      %gather3A_325 = tpu.vector_load_idx %arg12[%add3A_165, %broadcast_in_dim3A_324] : memref<128x32xf32, #tpu.memory_space<vmem>>[vector<16xi32>, vector<16xi32>], vector<16xf32>,
      %mul3A_326 = arith.mulf %gather3A_325, %gather3A_152 : vector<16xf32>
      %add3A_327 = arith.addf %add3A_322, %mul3A_326 : vector<16xf32>
      %mul3A_328 = arith.constant 16 : i32
      %mul3A_329 = arith.muli %scan3A_161, %mul3A_328 : i32
      %swap3A_330 = arith.index_cast %mul3A_329 : i32 to index
      %swap3A_331 = tpu.vector_load %arg17[%swap3A_330] {strides = array<i32>} : memref<128xf32, #tpu.memory_space<vmem>>, vector<16xf32>,
      tpu.vector_store %arg17[%swap3A_330], %add3A_327 {strides = array<i32>} : memref<128xf32, #tpu.memory_space<vmem>>, vector<16xf32>,
    }
    %scan3A_158 = arith.constant 8 : i32
    %mul3A_159 = arith.constant 128 : i32
    %mul3A_160 = arith.muli %add3A, %mul3A_159 : i32
    "tpu.region"() ({
      %run_scoped3A = tpu.sem_alloc : memref<!tpu.dma_semaphore, #tpu.memory_space<semaphore_mem>>
      %dma_start3A_161 = tpu.memref_slice %arg6[%mul3A_160] : memref<4096xf32, #tpu.memory_space<hbm>> -> memref<128xf32, #tpu.memory_space<hbm>>
      %dma_start3A_162 = tpu.memref_slice %arg6[%mul3A_160] : memref<4096xf32, #tpu.memory_space<hbm>> -> memref<128xf32, #tpu.memory_space<hbm>>
      tpu.enqueue_dma source(%arg17 : memref<128xf32, #tpu.memory_space<vmem>>) target(%dma_start3A_162 : memref<128xf32, #tpu.memory_space<hbm>>) target_semaphore(%run_scoped3A : memref<!tpu.dma_semaphore, #tpu.memory_space<semaphore_mem>>)
      %dma_wait3A_163 = tpu.memref_slice %arg6[%mul3A_160] : memref<4096xf32, #tpu.memory_space<hbm>> -> memref<128xf32, #tpu.memory_space<hbm>>
      %dma_wait3A_164 = tpu.memref_slice %arg6[%mul3A_160] : memref<4096xf32, #tpu.memory_space<hbm>> -> memref<128xf32, #tpu.memory_space<hbm>>
      tpu.wait_dma2 semaphore(%run_scoped3A : memref<!tpu.dma_semaphore, #tpu.memory_space<semaphore_mem>>) src(%arg17 : memref<128xf32, #tpu.memory_space<vmem>>) dst(%dma_wait3A_164 : memref<128xf32, #tpu.memory_space<hbm>>)
      tpu.yield
    }) : () -> ()
    return
  }
}

</mosaic_0001>

<sc_bundles>
// kernel: kernel.3.cloned.1.call-start
scs
__scs_entry_jumppad:
0x0: {  	(pc) =	sbr.rel $0x88, $3  }
0x1: {  	(tag) =	ssettag $0x0;
	lr =	simm.s32 $0x1  }
0x2: {  	[smem:$0x3F9D] =	sst lr;
	_ =	strace $0xD0000000  }
0x3: {  	_ = 	snop  }
0x4: {  	_ = 	snop  }
0x5: {  	_ = 	snop  }
0x6: {  	_ = 	snop  }
0x7: {  	_ = 	snop  }
__scs_overlays_trampoline_lowered:
0x8: {  	[smem:$0x3FAC] =	sst s0  }
0x9: {  	[smem:$0x3FAD] =	sst s1  }
0xa: {  	[smem:$0x3FAE] =	sst s2  }
0xb: {  	[smem:$0x3FAF] =	sst s3  }
0xc: {  	[smem:$0x3FB0] =	sst s4  }
0xd: {  	[smem:$0x3FB1] =	sst s5  }
0xe: {  	[smem:$0x3FB2] =	sst s6  }
0xf: {  	[smem:$0x3FB3] =	sst s7  }
0x10: {  	[smem:$0x3FB4] =	sst s8  }
0x11: {  	[smem:$0x3FB5] =	sst s9;
	s0 =	simm.s32 @!p0 $0x0  }
0x12: {  	s1 =	sld [smem:$0x3F9B];
	s0 =	simm.s32 @p0 $0x1  }
0x13: {  	[smem:$0x3FB6] =	sst s0;
	s0 =	simm.s32 @!p1 $0x0  }
0x14: {  	s2 =	sld [smem:$0x3F9A];
	s0 =	simm.s32 @p1 $0x1  }
0x15: {  	[smem:$0x3FB7] =	sst s0;
	s0 =	simm.s32 @!p2 $0x0  }
0x16: {  	s3 =	sld [smem:$0x3FDB];
	s0 =	simm.s32 @p2 $0x1  }
0x17: {  	s4 =	simm.s32 $0x1BF5;
	[smem:$0x3FB9] =	sst s0  }
0x18: {  	s0 =	sld [smem:$0x3F9C];
	_ =	swait.ge [sflag:s4], $0x0  }
0x19: {  	s7 =	sld [smem:$0x3F9D]  }
0x1a: {  	s8 =	sadd.s32 $0xFFFFE003, lr  }
0x1b: {  	s9 =	sadd.s32 $0xFFFFFEF7, lr;
	s5 =	simm.s32 $0xFFFFFFFF;
	p2 =	slt.u32 s8, $0xFFFFF086  }
0x1c: {  	p1 =	slt.u32 s9, $0xF7A;
	s5 =	simm.s32 @!p2 $0x0  }
0x1d: {  	s5 =	simm.s32 @p1 $0x1;
	p0 =	seq.s32 s7, s2  }
0x1e: {  	s7 =	smul.u32 @!p0 $0xF7A, s2;
	p2 =	seq.s32 @!p0 s5, $0x0  }
0x1f: {  	s9 =	smul.u32 $0xF7A, s1;
	s8 =	simm.s32 @!p0 $0x1BF5;
	p2 =	por !p2, p0  }
0x20: {  	[sflag:s8] =	ssyncset.s32 @!p0 $0xFFFFF086;
	s6 =	sadd.s32 @!p0 s3, s7;
	s7 =	simm.s32 @!p0 $0x108  }
0x21: {  	s3 =	sadd.s32 s3, s9;
	s6 =	sadd.s32 @!p0 $0x88, s6;
	s7 =	simm.s32 @p2 $0x1082  }
0x22: {  	[simem:s7], [sflag:s8] =	dma.local @!p0 [hbm:s6], $0xF7A  }
0x23: {  	s9 =	sor.u32 $0xD0000000, s2;
	s6 =	simm.s32 $0x108;
	_ =	swait.ge @!p0 [sflag:s8], $0x0  }
0x24: {  	s3 =	sadd.s32 $0x88, s3;
	s6 =	simm.s32 @!p1 $0x1082;
	[sflag:s4] =	ssyncset.s32 $0xFFFFF086  }
0x25: {  	[simem:s6], [sflag:s4] =	dma.local [hbm:s3], $0xF7A  }
0x26: {  	[smem:$0x3F9D] =	sst s1;
	(tag) =	ssettag s2;
	_ =	strace s9  }
0x27: {  	s1 =	sld [smem:$0x3FAD]  }
0x28: {  	s2 =	sld [smem:$0x3FAE]  }
0x29: {  	s4 =	sld [smem:$0x3FB0]  }
0x2a: {  	p0 =	seq.s32 s5, $0x0;
	s5 =	sld [smem:$0x3FB1]  }
0x2b: {  	s6 =	sld [smem:$0x3FB2]  }
0x2c: {  	s7 =	sld [smem:$0x3FB3]  }
0x2d: {  	s3 =	simm.s32 $0x108;
	s8 =	sld [smem:$0x3FB4]  }
0x2e: {  	s3 =	simm.s32 @!p0 $0x1082;
	s9 =	sld [smem:$0x3FB5]  }
0x2f: {  	lr =	sadd.s32 s0, s3;
	s0 =	sld [smem:$0x3FAC]  }
0x30: {  	s3 =	sld [smem:$0x3FAF]  }
0x31: {  	[smem:$0x3FB8] =	sst s10  }
0x32: {  	s10 =	sld [smem:$0x3FB6];
	_ =	sdelay $0x3  }
0x33: {  	p0 =	seq.s32 s10, $0x1;
	s10 =	sld [smem:$0x3FB8];
	_ =	sdelay $0x3  }
0x34: {  	[smem:$0x3FB8] =	sst s10  }
0x35: {  	s10 =	sld [smem:$0x3FB7];
	_ =	sdelay $0x3  }
0x36: {  	p1 =	seq.s32 s10, $0x1;
	s10 =	sld [smem:$0x3FB8];
	_ =	sdelay $0x3  }
0x37: {  	[smem:$0x3FB8] =	sst s10  }
0x38: {  	s10 =	sld [smem:$0x3FB9]  }
0x39: {  	_ = 	snop;
	(pc) =	sbr.ind lr, $3  }
0x3a: {  	_ = 	snop  }
0x3b: {  	_ = 	snop  }
0x3c: {  	p2 =	seq.s32 s10, $0x1;
	s10 =	sld [smem:$0x3FB8]  }
0x3d: {  	_ =	shalt  }
0x3e: {  	_ =	shalt  }
0x3f: {  	_ =	shalt  }
0x40: {  	_ =	shalt  }
0x41: {  	_ =	shalt  }
0x42: {  	_ =	shalt  }
0x43: {  	_ =	shalt  }
0x44: {  	_ =	shalt  }
0x45: {  	_ =	shalt  }
0x46: {  	_ =	shalt  }
0x47: {  	_ =	shalt  }
0x48: {  	_ =	shalt  }
0x49: {  	_ =	shalt  }
0x4a: {  	_ =	shalt  }
0x4b: {  	_ =	shalt  }
0x4c: {  	_ =	shalt  }
0x4d: {  	_ =	shalt  }
0x4e: {  	_ =	shalt  }
0x4f: {  	_ =	shalt  }
0x50: {  	_ =	shalt  }
0x51: {  	_ =	shalt  }
0x52: {  	_ =	shalt  }
0x53: {  	_ =	shalt  }
0x54: {  	_ =	shalt  }
0x55: {  	_ =	shalt  }
0x56: {  	_ =	shalt  }
0x57: {  	_ =	shalt  }
0x58: {  	_ =	shalt  }
0x59: {  	_ =	shalt  }
0x5a: {  	_ =	shalt  }
0x5b: {  	_ =	shalt  }
0x5c: {  	_ =	shalt  }
0x5d: {  	_ =	shalt  }
0x5e: {  	_ =	shalt  }
0x5f: {  	_ =	shalt  }
0x60: {  	_ =	shalt  }
0x61: {  	_ =	shalt  }
0x62: {  	_ =	shalt  }
0x63: {  	_ =	shalt  }
0x64: {  	_ =	shalt  }
0x65: {  	_ =	shalt  }
0x66: {  	_ =	shalt  }
0x67: {  	_ =	shalt  }
0x68: {  	_ =	shalt  }
0x69: {  	_ =	shalt  }
0x6a: {  	_ =	shalt  }
0x6b: {  	_ =	shalt  }
0x6c: {  	_ =	shalt  }
0x6d: {  	_ =	shalt  }
0x6e: {  	_ =	shalt  }
0x6f: {  	_ =	shalt  }
0x70: {  	_ =	shalt  }
0x71: {  	_ =	shalt  }
0x72: {  	_ =	shalt  }
0x73: {  	_ =	shalt  }
0x74: {  	_ =	shalt  }
0x75: {  	_ =	shalt  }
0x76: {  	_ =	shalt  }
0x77: {  	_ =	shalt  }
0x78: {  	_ =	shalt  }
0x79: {  	_ =	shalt  }
0x7a: {  	_ =	shalt  }
0x7b: {  	_ =	shalt  }
0x7c: {  	_ =	shalt  }
0x7d: {  	_ =	shalt  }
0x7e: {  	_ =	shalt  }
0x7f: {  	_ =	shalt  }
0x80: {  	_ =	shalt  }
0x81: {  	_ =	shalt  }
0x82: {  	_ =	shalt  }
0x83: {  	_ =	shalt  }
0x84: {  	_ =	shalt  }
0x85: {  	_ =	shalt  }
0x86: {  	_ =	shalt  }
0x87: {  	_ =	shalt  }
.Lfunc_end0:
.L_simem_size_0:
called_computation_lowered:
.L_overlay_start_0:
0x88: {  	s2 =	sld [smem:$0x3FD9]  }
0x89: {  	s3 =	sld [smem:$0x3FFE];
	_ =	sdelay $0x1  }
0x8a: {  	s1 =	srdreg.scid  }
0x8b: {  	s0 =	sand.u32 $0x1, s1  }
0x8c: {  	s17 =	sshll.u32 s0, $0xA;
	s2 =	sadd.s32 s3, s2  }
0x8d: {  	s2 =	sadd.s32 s2, s17  }
0x8e: {  	[smem:$0x3FC4] =	sst s2  }
0x8f: {  	_ = 	snop  }
0x90: {  	s2 =	sld [smem:$0x3FC9]  }
0x91: {  	s18 =	sld [smem:$0x3FC8]  }
0x92: {  	s4 =	sld [smem:$0x3FD0];
	(tm) =	ssettm $0x1  }
0x93: {  	s5 =	sld [smem:$0x3FFB];
	_ =	sdelay $0x3  }
0x94: {  	_ =	strace s5  }
0x95: {  	s5 =	sld [smem:$0x3FFC];
	_ =	sdelay $0x3  }
0x96: {  	_ =	strace s5  }
0x97: {  	s5 =	sld [smem:$0x3FFD];
	_ =	sdelay $0x3  }
0x98: {  	_ =	strace s5  }
0x99: {  	_ =	strace $0x8FFFFFFF  }
0x9a: {  	s19 =	sld [smem:$0x3FDB];
	_ =	sdelay $0x1  }
0x9b: {  	s6 =	simm.s32 $_scs_section_size  }
0x9c: {  	s7 =	simm.s32 $_size__tile_overlayer_lowered;
	s8 =	simm.s32 $_tile_overlayer_lowered  }
0x9d: {  	s22 =	simm.s32 $0x1BFF;
	s21 =	sshll.u32 s8, $0x1;
	s5 =	sadd.s32 s6, s19  }
0x9e: {  	s9 =	simm.s32 $0x0;
	s20 =	sshll.u32 s7, $0x1;
	s7 =	sadd.s32 s21, s5  }
0x9f: {  	[timem:s9], [sflag:s22] =	dma.local [hbm:s7], s20  }
0xa0: {  	_ =	swait.ge [sflag:s22], s20  }
0xa1: {  	s6 =	ssub.s32 $0x0, s20;
	[sflag:s22] =	ssyncset.done $0x0  }
0xa2: {  	[sflag:s22] =	ssyncadd.s32 s6;
	_ =	sdelay $0x1  }
0xa3: {  	s23 =	simm.s32 $0x1B8B  }
0xa4: {  	_ =	swait.ge [sflag:s23], $0x1  }
0xa5: {  	[sflag:s23] =	ssyncset.done $0x0  }
0xa6: {  	s25 =	simm.s32 $0x1B8E;
	s24 =	sld [smem:$0x3FFE];
	[sflag:s23] =	ssyncadd.s32 $0xFFFFFFFF  }
0xa7: {  	s26 =	simm.s32 $execute0_lowered;
	[smem:$0x3FD2] =	sst s25  }
0xa8: {  	s7 =	sshll.u32 s26, $0x1;
	_ =	strace $0x80000046;
	[dreg:$0x1] =	wrdreg $0xFFFFFFFF  }
0xa9: {  	s28 =	simm.s32 $_size_execute0_lowered;
	s5 =	sadd.s32 s5, s7;
	[dreg:$0x0] =	wrdreg $0x0  }
0xaa: {  	s7 =	sshll.u32 s28, $0x1;
	[dreg:$0x2] =	wrdreg s5  }
0xab: {  	[dreg:$0x3] =	wrdreg s7  }
0xac: {  	[dreg:$0x4] =	wrdreg $0xC0  }
0xad: {  	_ =	task [dreg:s9], $0x5FFFF  }
0xae: {  	[dreg:$0x1] =	wrdreg $0xFFFFFFFF  }
0xaf: {  	[dreg:$0x0] =	wrdreg $0x60  }
0xb0: {  	[dreg:$0x2] =	wrdreg s2  }
0xb1: {  	[dreg:$0x3] =	wrdreg s18  }
0xb2: {  	[dreg:$0x4] =	wrdreg s24  }
0xb3: {  	[dreg:$0x5] =	wrdreg s4  }
0xb4: {  	[dreg:$0x6] =	wrdreg $0x31A00  }
0xb5: {  	[dreg:$0x7] =	wrdreg $0x9  }
0xb6: {  	_ =	task.clear_ibuf [dreg:s9], $0x8FFFF;
	_ =	strace $0x90000046  }
0xb7: {  	s29 =	simm.s32 $0x9;
	_ =	strace $0x80000048  }
0xb8: {  	_ =	swait.ge [sflag:s29], $0x1  }
0xb9: {  	[sflag:s29] =	ssyncadd.s32 $0xFFFFFFFF  }
0xba: {  	_ =	strace $0x90000048  }
0xbb: {  	_ =	sfence  }
0xbc: {  	s30 =	sld [smem:$0x0];
	_ =	sdelay $0x2  }
0xbd: {  	s31 =	sshll.u32 s1, $0xD;
	s1 =	sshrl.u32 s1, $0x2  }
0xbe: {  	s3 =	sand.u32 $0x4000, s31;
	s1 =	sadd.s32 s1, s30  }
0xbf: {  	s0 =	sor.u32 s3, s0;
	s1 =	sshll.u32 s1, $0x11  }
0xc0: {  	s0 =	sor.u32 s1, s0  }
0xc1: {  	s0 =	sadd.s32 $0x8F2B, s0  }
0xc2: {  	[sflag:s0] =	ssyncadd.remote.s32 $0x1  }
0xc3: {  	_ =	sfence.sel $0xFFFF  }
0xc4: {  	[dreg:$0x0] =	wrdreg $0xFFFFFFFF;
	(pc) =	sbr.abs _section_cstart, $3  }
0xc5: {  	[dreg:$0x1] =	wrdreg $0xFFFFFFFF  }
0xc6: {  	_ =	task.clear_ibuf [dreg:s9], $0x2FFFF;
	_ =	strace $0x9FFFFFFF  }
0xc7: {  	(tm) =	ssettm $0x7FFFFFFF  }
tec
execute0_lowered:
.L_overlay_start_1:
0x0: {  	(tag) =	ssettag $0x1  }
0x1: {  	s8 =	rddreg [dreg:$0x0]  }
0x2: {  	s6 =	rddreg [dreg:$0x1]  }
0x3: {  	s5 =	rddreg [dreg:$0x2]  }
0x4: {  	s10 =	rddreg [dreg:$0x3]  }
0x5: {  	s1 =	rddreg [dreg:$0x4]  }
0x6: {  	s0 =	rddreg [dreg:$0x5];
	s2 =	simm.s32 $0x0  }
0x7: {  	s7 =	srdreg.scid;
	s3 =	stileid.u32;
	s14 =	simm.s32 $0x100  }
0x8: {  	s15 =	simm.s32 $0x180;
	s16 =	simm.s32 $0x1180;
	s17 =	simm.s32 $0x2180  }
0x9: {  	s18 =	simm.s32 $0x1;
	s19 =	simm.s32 $0x2;
	s20 =	simm.s32 $0x3180  }
0xa: {  	v10 =	vimm.s32 $0x1A;
	v11 =	vimm.s32 $0x1B;
	v12 =	vimm.s32 $0x1C;
	s21 =	simm.s32 $0x31C0;
	s22 =	simm.s32 $0x3;
	s23 =	simm.s32 $0x33C0  }
0xb: {  	v13 =	vimm.s32 $0x1D;
	v15 =	vimm.s32 $0x1F;
	v16 =	vimm.s32 $0x20;
	s24 =	simm.s32 $0x33F0;
	s25 =	simm.s32 $0x0;
	[smem:$0x7FF] =	sst s2  }
0xc: {  	v14 =	vimm.s32 $0x1E;
	v17 =	vimm.s32 $0x21;
	v18 =	vimm.s32 $0x22;
	s4 =	sadd.s32 $0x187E00, s5;
	s7 =	sand.u32 $0x1, s7;
	s5 =	sadd.s32 $0x1E9A00, s5  }
0xd: {  	v19 =	vimm.s32 $0x23;
	v20 =	vimm.s32 $0x24;
	v21 =	vimm.s32 $0x25;
	s11 =	sshll.u32 s3, $0x5;
	_ =	strace $0x80000047;
	s9 =	ssub.s32 $0x2, s7  }
0xe: {  	v22 =	vimm.s32 $0x26;
	v23 =	vimm.s32 $0x27;
	v24 =	vimm.s32 $0x28;
	s6 =	sadd.s32 s6, s11;
	s13 =	sshll.u32 s7, $0x4;
	s12 =	sshrl.u32 s9, $0x1  }
0xf: {  	v25 =	vimm.s32 $0x29;
	v26 =	vimm.s32 $0x2A;
	v27 =	vimm.s32 $0x2B;
	s7 =	sadd.s32 $0x10, s6;
	s13 =	sor.u32 s13, s11;
	s12 =	ssub.s32 s9, s12  }
0x10: {  	v28 =	vimm.s32 $0x2C;
	v29 =	vimm.s32 $0x2D;
	v0 =	vlaneseq.u32;
	s8 =	sadd.s32 s8, s13;
	s9 =	sadd.s32 s11, s1;
	s10 =	sadd.s32 s10, s13  }
0x11: {  	v30 =	vimm.s32 $0x2E;
	v31 =	vimm.s32 $0x2F;
	v32 =	vmul.u32 $0x20, v0;
	s13 =	simm.s32 $0x80;
	s11 =	smax.u32 s12, $0x1;
	s12 =	simm.s32 $0x4  }
.LBB2_1:
0x12: {  	[tilespmem:s2], [sflag:$0x4] =	stream.linear.gather [hbm4b:s6+s2], $0x80, $0x38;
	[tilespmem:$0x3470] =	vst v63  }
0x13: {  	_ =	swait.ge [sflag:s12], $0x80  }
0x14: {  	[sflag:s12] =	ssyncset.done $0x0  }
0x15: {  	[sflag:s12] =	ssyncadd.s32 $0xFFFFFF80  }
0x16: {  	[tilespmem:s13], [sflag:$0x4] =	stream.linear.gather [hbm4b:s7+s2], $0x80, $0x38;
	[tilespmem:$0x3470] =	vst v63  }
0x17: {  	_ =	swait.ge [sflag:s12], $0x80  }
0x18: {  	[sflag:s12] =	ssyncset.done $0x0  }
0x19: {  	[sflag:s12] =	ssyncadd.s32 $0xFFFFFF80  }
0x1a: {  	[tilespmem:s14], [sflag:$0x4] =	stream.linear.gather [hbm4b:s8+s2], $0x80, $0x38;
	[tilespmem:$0x3470] =	vst v63  }
0x1b: {  	_ =	swait.ge [sflag:s12], $0x80  }
0x1c: {  	[sflag:s12] =	ssyncset.done $0x0  }
0x1d: {  	[sflag:s12] =	ssyncadd.s32 $0xFFFFFF80  }
0x1e: {  	[tilespmem:s15], [sflag:$0x1] =	stream.indirect.gather [hbm4b:s5+s13], $0x20, s2, s13, $0xb8;
	[tilespmem:$0x3470] =	vst v63  }
0x1f: {  	_ = 	snop  }
0x20: {  	[tilespmem:s16], [sflag:$0x2] =	stream.indirect.gather [hbm4b:s5+s13], $0x20, s13, s13, $0xb8;
	[tilespmem:$0x3470] =	vst v63  }
0x21: {  	_ = 	snop  }
0x22: {  	[tilespmem:s17], [sflag:$0x3] =	stream.indirect.gather [hbm4b:s4+s13], $0x20, s14, s13, $0xb8;
	[tilespmem:$0x3470] =	vst v63  }
0x23: {  	_ =	swait.ge [sflag:s18], $0x1000  }
0x24: {  	[sflag:s18] =	ssyncset.done $0x0  }
0x25: {  	s28 =	simm.s32 $0x0;
	[sflag:s18] =	ssyncadd.s32 $0xFFFFF000  }
0x26: {  	v1 =	vld [tilespmem:s28+$0x190]  }
0x27: {  	v0 =	vimm.f32 $0.0e+00;
	s26 =	simm.s32 $0x80;
	v2 =	vimm.f32 $0.0e+00;
	v33 =	vld [tilespmem:s28+$0x180]  }
.LBB2_2:
0x28: {  	p0 =	sne.s32 s26, $0x3F80  }
.Ltmp0:
0x29: {  	_ = 	snop;
	(pc) =	sbr.rel @p0 .LBB2_2-.Ltmp0, $4  }
0x2a: {  	_ = 	snop  }
0x2b: {  	s28 =	sshra.s32 s26, $0x2;
	s26 =	sadd.s32 $0x80, s26;
	v0 =	vadd.f32 v1, v0  }
0x2c: {  	v1 =	vld [tilespmem:s28+$0x190];
	v2 =	vadd.f32 v33, v2  }
0x2d: {  	v33 =	vld [tilespmem:s28+$0x180]  }
0x2e: {  	_ =	swait.ge [sflag:s19], $0x1000  }
0x2f: {  	[sflag:s19] =	ssyncset.done $0x0  }
0x30: {  	s28 =	simm.s32 $0x0;
	[sflag:s19] =	ssyncadd.s32 $0xFFFFF000  }
0x31: {  	v34 =	vld [tilespmem:s28+$0x1190]  }
0x32: {  	s26 =	simm.s32 $0x80;
	v0 =	vadd.f32 v1, v0;
	v1 =	vadd.f32 v33, v2;
	v2 =	vld [tilespmem:s28+$0x1180]  }
.LBB2_4:
0x33: {  	p0 =	sne.s32 s26, $0x3F80  }
.Ltmp1:
0x34: {  	_ = 	snop;
	(pc) =	sbr.rel @p0 .LBB2_4-.Ltmp1, $4  }
0x35: {  	_ = 	snop  }
0x36: {  	s28 =	sshra.s32 s26, $0x2;
	s26 =	sadd.s32 $0x80, s26;
	v0 =	vadd.f32 v34, v0  }
0x37: {  	v34 =	vld [tilespmem:s28+$0x1190];
	v1 =	vadd.f32 v2, v1  }
0x38: {  	v2 =	vld [tilespmem:s28+$0x1180]  }
0x39: {  	_ =	sdelay $0x2  }
0x3a: {  	v0 =	vadd.f32 v34, v0  }
0x3b: {  	v1 =	vadd.f32 v2, v1  }
0x3c: {  	[tilespmem:$0x3190] =	vst v0  }
0x3d: {  	[tilespmem:$0x3180] =	vst v1  }
0x3e: {  	[spmem:s9] =	stream.linear.scatter [tilespmem:s20], [sflag:$0x4], $0x20, $0x38;
	[tilespmem:$0x3470] =	vst v63  }
0x3f: {  	_ =	swait.ge [sflag:s12], $0x20  }
0x40: {  	[sflag:s12] =	ssyncset.done $0x0  }
0x41: {  	[sflag:s12] =	ssyncadd.s32 $0xFFFFFFE0  }
0x42: {  	[bflag:$0x0] =	sbarrier.arrive $0xFFFF  }
0x43: {  	[tilespmem:s21], [sflag:$0x4] =	stream.linear.gather [spmem:s1], $0x200, $0x38;
	[tilespmem:$0x3470] =	vst v63  }
0x44: {  	_ =	swait.ge [sflag:s12], $0x200  }
0x45: {  	[sflag:s12] =	ssyncset.done $0x0  }
0x46: {  	[sflag:s12] =	ssyncadd.s32 $0xFFFFFE00  }
0x47: {  	v0 =	vld [tilespmem:$0x31C0]  }
0x48: {  	v1 =	vld [tilespmem:$0x31D0]  }
0x49: {  	v2 =	vld [tilespmem:$0x31E0]  }
0x4a: {  	v3 =	vld [tilespmem:$0x31F0]  }
0x4b: {  	v4 =	vld [tilespmem:$0x3200]  }
0x4c: {  	v33 =	vld [tilespmem:$0x3210];
	v0 =	vadd.f32 $0.0e+00, v0  }
0x4d: {  	v51 =	vld [tilespmem:$0x3220];
	v1 =	vadd.f32 $0.0e+00, v1  }
0x4e: {  	v0 =	vadd.f32 v2, v0;
	v2 =	vld [tilespmem:$0x3230]  }
0x4f: {  	v1 =	vadd.f32 v3, v1;
	v3 =	vld [tilespmem:$0x3240]  }
0x50: {  	v0 =	vadd.f32 v4, v0;
	v4 =	vld [tilespmem:$0x3250]  }
0x51: {  	v52 =	vld [tilespmem:$0x3260];
	v1 =	vadd.f32 v33, v1  }
0x52: {  	v53 =	vld [tilespmem:$0x3270];
	v0 =	vadd.f32 v51, v0  }
0x53: {  	v1 =	vadd.f32 v2, v1;
	v2 =	vld [tilespmem:$0x3280]  }
0x54: {  	v0 =	vadd.f32 v3, v0;
	v3 =	vld [tilespmem:$0x3290]  }
0x55: {  	v1 =	vadd.f32 v4, v1;
	v4 =	vld [tilespmem:$0x32A0]  }
0x56: {  	v54 =	vld [tilespmem:$0x32B0];
	v0 =	vadd.f32 v52, v0  }
0x57: {  	v55 =	vld [tilespmem:$0x32C0];
	v1 =	vadd.f32 v53, v1  }
0x58: {  	v0 =	vadd.f32 v2, v0;
	v2 =	vld [tilespmem:$0x32D0]  }
0x59: {  	v1 =	vadd.f32 v3, v1;
	v3 =	vld [tilespmem:$0x32E0]  }
0x5a: {  	v0 =	vadd.f32 v4, v0;
	v4 =	vld [tilespmem:$0x32F0]  }
0x5b: {  	v56 =	vld [tilespmem:$0x3300];
	v1 =	vadd.f32 v54, v1  }
0x5c: {  	v57 =	vld [tilespmem:$0x3310];
	v0 =	vadd.f32 v55, v0  }
0x5d: {  	v1 =	vadd.f32 v2, v1;
	v2 =	vld [tilespmem:$0x3320]  }
0x5e: {  	v0 =	vadd.f32 v3, v0;
	v3 =	vld [tilespmem:$0x3330]  }
0x5f: {  	v1 =	vadd.f32 v4, v1;
	v4 =	vld [tilespmem:$0x3340]  }
0x60: {  	v58 =	vld [tilespmem:$0x3350];
	v0 =	vadd.f32 v56, v0  }
0x61: {  	v59 =	vld [tilespmem:$0x3360];
	v1 =	vadd.f32 v57, v1  }
0x62: {  	v0 =	vadd.f32 v2, v0;
	v2 =	vld [tilespmem:$0x3370]  }
0x63: {  	v1 =	vadd.f32 v3, v1;
	v3 =	vld [tilespmem:$0x3380]  }
0x64: {  	v0 =	vadd.f32 v4, v0;
	v4 =	vld [tilespmem:$0x3390]  }
0x65: {  	v60 =	vld [tilespmem:$0x33A0];
	v1 =	vadd.f32 v58, v1  }
0x66: {  	v61 =	vld [tilespmem:$0x33B0];
	v0 =	vadd.f32 v59, v0  }
0x67: {  	v1 =	vadd.f32 v2, v1  }
0x68: {  	v0 =	vadd.f32 v3, v0  }
0x69: {  	v1 =	vadd.f32 v4, v1  }
0x6a: {  	v0 =	vadd.f32 v60, v0  }
0x6b: {  	v1 =	vadd.f32 v61, v1  }
0x6c: {  	v5 =	vimm.s32 $0x12;
	[tilespmem:$0x33D0] =	vst v0  }
0x6d: {  	[tilespmem:$0x33E0] =	vst v1  }
0x6e: {  	_ =	swait.ge [sflag:s22], $0x1000  }
0x6f: {  	[sflag:s22] =	ssyncset.done $0x0  }
0x70: {  	[sflag:s22] =	ssyncadd.s32 $0xFFFFF000  }
0x71: {  	v35 =	vld.idx.msk [tilespmem:v5+s23+$0x0], $0xffff;
	v5 =	vimm.s32 $0x13  }
0x72: {  	s26 =	simm.s32 $0x0  }
0x73: {  	v2 =	vmov s26  }
0x74: {  	v0 =	vshll.u32 v2, $0x5;
	v2 =	vimm.s32 $0x10  }
0x75: {  	v0 =	vor.u32 v32, v0  }
0x76: {  	v33 =	vld.idx.msk [tilespmem:v5+s23+$0x0], $0xffff;
	v5 =	vimm.s32 $0x14  }
0x77: {  	v4 =	vimm.s32 $0x11  }
0x78: {  	v1 =	vor.u32 $0x1, v0  }
0x79: {  	v39 =	vld.idx.msk [tilespmem:v2+s23+$0x0], $0xffff  }
0x7a: {  	v36 =	vor.u32 $0x4, v0;
	v3 =	vld.idx.msk [tilespmem:v0+s17+$0x0], $0xffff  }
0x7b: {  	v34 =	vld.idx.msk [tilespmem:v5+s23+$0x0], $0xffff;
	v5 =	vimm.s32 $0x15  }
0x7c: {  	v37 =	vld.idx.msk [tilespmem:v4+s23+$0x0], $0xffff  }
0x7d: {  	v2 =	vor.u32 $0x2, v0;
	v1 =	vld.idx.msk [tilespmem:v1+s17+$0x0], $0xffff  }
0x7e: {  	v4 =	vor.u32 $0x3, v0  }
0x7f: {  	v38 =	vor.u32 $0x5, v0;
	v41 =	vld.idx.msk [tilespmem:v36+s17+$0x0], $0xffff  }
0x80: {  	v3 =	vmul.f32 v3, v39;
	v36 =	vld.idx.msk [tilespmem:v5+s23+$0x0], $0xffff;
	v5 =	vimm.s32 $0x16;
	_ =	sdelay $0x1  }
0x81: {  	v2 =	vld.idx.msk [tilespmem:v2+s17+$0x0], $0xffff;
	v1 =	vmul.f32 v1, v37;
	v3 =	vadd.f32 $0.0e+00, v3  }
0x82: {  	v4 =	vld.idx.msk [tilespmem:v4+s17+$0x0], $0xffff  }
0x83: {  	v40 =	vor.u32 $0x6, v0;
	v1 =	vadd.f32 v1, v3;
	v3 =	vld.idx.msk [tilespmem:v38+s17+$0x0], $0xffff  }
0x84: {  	v38 =	vld.idx.msk [tilespmem:v5+s23+$0x0], $0xffff;
	v5 =	vimm.s32 $0x17;
	_ =	sdelay $0x1  }
0x85: {  	v2 =	vmul.f32 v2, v35;
	_ =	sdelay $0x1  }
0x86: {  	v1 =	vadd.f32 v2, v1;
	v2 =	vmul.f32 v4, v33;
	v4 =	vld.idx.msk [tilespmem:v40+s17+$0x0], $0xffff  }
0x87: {  	v40 =	vld.idx.msk [tilespmem:v5+s23+$0x0], $0xffff;
	v5 =	vimm.s32 $0x18  }
0x88: {  	v42 =	vor.u32 $0x7, v0;
	_ =	sdelay $0x1  }
0x89: {  	v43 =	vor.u32 $0x8, v0  }
0x8a: {  	v44 =	vor.u32 $0x9, v0  }
0x8b: {  	v1 =	vadd.f32 v2, v1;
	v2 =	vmul.f32 v41, v34;
	v41 =	vld.idx.msk [tilespmem:v5+s23+$0x0], $0xffff;
	v5 =	vimm.s32 $0x19  }
0x8c: {  	v46 =	vor.u32 $0xA, v0;
	v45 =	vld.idx.msk [tilespmem:v42+s17+$0x0], $0xffff  }
0x8d: {  	v1 =	vadd.f32 v2, v1;
	v2 =	vmul.f32 v3, v36  }
0x8e: {  	v3 =	vld.idx.msk [tilespmem:v43+s17+$0x0], $0xffff  }
0x8f: {  	v47 =	vor.u32 $0xB, v0;
	v1 =	vadd.f32 v2, v1;
	v2 =	vmul.f32 v4, v38;
	v4 =	vld.idx.msk [tilespmem:v44+s17+$0x0], $0xffff  }
0x90: {  	v42 =	vld.idx.msk [tilespmem:v5+s23+$0x0], $0xffff  }
0x91: {  	v48 =	vor.u32 $0xC, v0;
	v49 =	vld.idx.msk [tilespmem:v46+s17+$0x0], $0xffff;
	v1 =	vadd.f32 v2, v1;
	v2 =	vmul.f32 v45, v40  }
0x92: {  	v43 =	vld.idx.msk [tilespmem:v10+s23+$0x0], $0xffff  }
0x93: {  	v50 =	vor.u32 $0xD, v0;
	v44 =	vld.idx.msk [tilespmem:v11+s23+$0x0], $0xffff;
	v1 =	vadd.f32 v2, v1;
	v2 =	vmul.f32 v3, v41  }
0x94: {  	v3 =	vld.idx.msk [tilespmem:v47+s17+$0x0], $0xffff  }
0x95: {  	v51 =	vor.u32 $0xE, v0;
	v45 =	vld.idx.msk [tilespmem:v12+s23+$0x0], $0xffff;
	v1 =	vadd.f32 v2, v1;
	v2 =	vmul.f32 v4, v42  }
0x96: {  	v4 =	vld.idx.msk [tilespmem:v48+s17+$0x0], $0xffff  }
0x97: {  	v52 =	vor.u32 $0xF, v0;
	v46 =	vld.idx.msk [tilespmem:v13+s23+$0x0], $0xffff;
	v1 =	vadd.f32 v2, v1;
	v2 =	vmul.f32 v49, v43  }
0x98: {  	v53 =	vor.u32 $0x10, v0;
	v50 =	vld.idx.msk [tilespmem:v50+s17+$0x0], $0xffff  }
0x99: {  	v47 =	vld.idx.msk [tilespmem:v14+s23+$0x0], $0xffff;
	v1 =	vadd.f32 v2, v1;
	v2 =	vmul.f32 v3, v44  }
0x9a: {  	v3 =	vld.idx.msk [tilespmem:v51+s17+$0x0], $0xffff  }
0x9b: {  	v62 =	vor.u32 $0x11, v0;
	v48 =	vld.idx.msk [tilespmem:v15+s23+$0x0], $0xffff;
	v1 =	vadd.f32 v2, v1;
	v2 =	vmul.f32 v4, v45  }
0x9c: {  	v4 =	vld.idx.msk [tilespmem:v52+s17+$0x0], $0xffff  }
0x9d: {  	v63 =	vor.u32 $0x12, v0;
	v53 =	vld.idx.msk [tilespmem:v53+s17+$0x0], $0xffff;
	v1 =	vadd.f32 v2, v1;
	v2 =	vmul.f32 v50, v46  }
0x9e: {  	v54 =	vor.u32 $0x13, v0;
	v49 =	vld.idx.msk [tilespmem:v16+s23+$0x0], $0xffff  }
0x9f: {  	v50 =	vld.idx.msk [tilespmem:v17+s23+$0x0], $0xffff;
	v1 =	vadd.f32 v2, v1;
	v2 =	vmul.f32 v3, v47  }
0xa0: {  	v3 =	vld.idx.msk [tilespmem:v62+s17+$0x0], $0xffff  }
0xa1: {  	v55 =	vor.u32 $0x14, v0;
	v51 =	vld.idx.msk [tilespmem:v18+s23+$0x0], $0xffff;
	v1 =	vadd.f32 v2, v1;
	v2 =	vmul.f32 v4, v48  }
0xa2: {  	v4 =	vld.idx.msk [tilespmem:v63+s17+$0x0], $0xffff  }
0xa3: {  	v56 =	vor.u32 $0x15, v0;
	v57 =	vld.idx.msk [tilespmem:v54+s17+$0x0], $0xffff;
	v1 =	vadd.f32 v2, v1;
	v2 =	vmul.f32 v53, v49  }
0xa4: {  	v58 =	vor.u32 $0x16, v0;
	v52 =	vld.idx.msk [tilespmem:v19+s23+$0x0], $0xffff  }
0xa5: {  	v53 =	vld.idx.msk [tilespmem:v20+s23+$0x0], $0xffff;
	v1 =	vadd.f32 v2, v1;
	v2 =	vmul.f32 v3, v50  }
0xa6: {  	v3 =	vld.idx.msk [tilespmem:v55+s17+$0x0], $0xffff  }
0xa7: {  	v59 =	vor.u32 $0x17, v0;
	v54 =	vld.idx.msk [tilespmem:v21+s23+$0x0], $0xffff;
	v1 =	vadd.f32 v2, v1;
	v2 =	vmul.f32 v4, v51  }
0xa8: {  	v4 =	vld.idx.msk [tilespmem:v56+s17+$0x0], $0xffff  }
0xa9: {  	v60 =	vor.u32 $0x18, v0;
	v61 =	vld.idx.msk [tilespmem:v58+s17+$0x0], $0xffff;
	v1 =	vadd.f32 v2, v1;
	v2 =	vmul.f32 v57, v52  }
0xaa: {  	v55 =	vld.idx.msk [tilespmem:v22+s23+$0x0], $0xffff  }
0xab: {  	v62 =	vor.u32 $0x19, v0;
	v56 =	vld.idx.msk [tilespmem:v23+s23+$0x0], $0xffff;
	v1 =	vadd.f32 v2, v1;
	v2 =	vmul.f32 v3, v53  }
0xac: {  	v3 =	vld.idx.msk [tilespmem:v59+s17+$0x0], $0xffff  }
0xad: {  	v63 =	vor.u32 $0x1A, v0;
	v57 =	vld.idx.msk [tilespmem:v24+s23+$0x0], $0xffff;
	v1 =	vadd.f32 v2, v1;
	v2 =	vmul.f32 v4, v54  }
0xae: {  	v4 =	vld.idx.msk [tilespmem:v60+s17+$0x0], $0xffff  }
0xaf: {  	v58 =	vld.idx.msk [tilespmem:v25+s23+$0x0], $0xffff;
	v5 =	vor.u32 $0x1B, v0;
	v1 =	vadd.f32 v2, v1;
	v2 =	vmul.f32 v61, v55  }
0xb0: {  	v6 =	vor.u32 $0x1C, v0;
	v62 =	vld.idx.msk [tilespmem:v62+s17+$0x0], $0xffff  }
0xb1: {  	v59 =	vld.idx.msk [tilespmem:v26+s23+$0x0], $0xffff;
	v1 =	vadd.f32 v2, v1;
	v2 =	vmul.f32 v3, v56  }
0xb2: {  	v3 =	vld.idx.msk [tilespmem:v63+s17+$0x0], $0xffff  }
0xb3: {  	v60 =	vld.idx.msk [tilespmem:v27+s23+$0x0], $0xffff;
	v63 =	vor.u32 $0x1D, v0;
	v1 =	vadd.f32 v2, v1;
	v2 =	vmul.f32 v4, v57  }
0xb4: {  	v4 =	vld.idx.msk [tilespmem:v5+s17+$0x0], $0xffff  }
0xb5: {  	v6 =	vld.idx.msk [tilespmem:v6+s17+$0x0], $0xffff;
	v5 =	vor.u32 $0x1E, v0;
	v1 =	vadd.f32 v2, v1;
	v2 =	vmul.f32 v62, v58  }
0xb6: {  	v7 =	vor.u32 $0x1F, v0;
	v61 =	vld.idx.msk [tilespmem:v28+s23+$0x0], $0xffff  }
0xb7: {  	v62 =	vld.idx.msk [tilespmem:v29+s23+$0x0], $0xffff;
	v0 =	vadd.f32 v2, v1;
	v1 =	vmul.f32 v3, v59  }
0xb8: {  	v2 =	vld.idx.msk [tilespmem:v63+s17+$0x0], $0xffff  }
0xb9: {  	v63 =	vld.idx.msk [tilespmem:v30+s23+$0x0], $0xffff;
	v3 =	vmul.f32 v4, v60;
	v1 =	vadd.f32 v1, v0  }
0xba: {  	v4 =	vld.idx.msk [tilespmem:v5+s17+$0x0], $0xffff  }
0xbb: {  	v5 =	vld.idx.msk [tilespmem:v7+s17+$0x0], $0xffff;
	v1 =	vadd.f32 v3, v1;
	v3 =	vmul.f32 v6, v61  }
0xbc: {  	v0 =	vld.idx.msk [tilespmem:v31+s23+$0x0], $0xffff  }
0xbd: {  	v2 =	vmul.f32 v2, v62;
	v1 =	vadd.f32 v3, v1  }
0xbe: {  	s31 =	simm.s32 $0x10  }
0xbf: {  	v3 =	vmov s31;
	v1 =	vadd.f32 v2, v1;
	v2 =	vmul.f32 v4, v63  }
0xc0: {  	v3 =	vshll.u32 v3, $0x5  }
0xc1: {  	v3 =	vor.u32 v32, v3;
	v1 =	vadd.f32 v2, v1;
	v2 =	vmul.f32 v5, v0;
	_ =	sdelay $0x1  }
0xc2: {  	v4 =	vor.u32 $0x1, v3;
	v1 =	vadd.f32 v2, v1  }
0xc3: {  	s26 =	simm.s32 $0x33F0  }
0xc4: {  	v2 =	vor.u32 $0x2, v3;
	[tilespmem:s26+$0x0] =	vst v1  }
0xc5: {  	v1 =	vld.idx.msk [tilespmem:v3+s17+$0x0], $0xffff  }
0xc6: {  	v5 =	vor.u32 $0x3, v3  }
0xc7: {  	v4 =	vld.idx.msk [tilespmem:v4+s17+$0x0], $0xffff  }
0xc8: {  	v6 =	vor.u32 $0x4, v3  }
0xc9: {  	v2 =	vld.idx.msk [tilespmem:v2+s17+$0x0], $0xffff  }
0xca: {  	v7 =	vor.u32 $0x5, v3;
	v1 =	vmul.f32 v1, v39  }
0xcb: {  	v5 =	vld.idx.msk [tilespmem:v5+s17+$0x0], $0xffff  }
0xcc: {  	v8 =	vor.u32 $0x6, v3;
	v4 =	vmul.f32 v4, v37;
	v1 =	vadd.f32 $0.0e+00, v1  }
0xcd: {  	v6 =	vld.idx.msk [tilespmem:v6+s17+$0x0], $0xffff  }
0xce: {  	v2 =	vmul.f32 v2, v35;
	v1 =	vadd.f32 v4, v1;
	v4 =	vor.u32 $0x7, v3  }
0xcf: {  	v7 =	vld.idx.msk [tilespmem:v7+s17+$0x0], $0xffff  }
0xd0: {  	v5 =	vmul.f32 v5, v33;
	v1 =	vadd.f32 v2, v1;
	v2 =	vor.u32 $0x8, v3  }
0xd1: {  	v8 =	vld.idx.msk [tilespmem:v8+s17+$0x0], $0xffff  }
0xd2: {  	v6 =	vmul.f32 v6, v34;
	v1 =	vadd.f32 v5, v1;
	v5 =	vor.u32 $0x9, v3  }
0xd3: {  	v4 =	vld.idx.msk [tilespmem:v4+s17+$0x0], $0xffff  }
0xd4: {  	v7 =	vmul.f32 v7, v36;
	v1 =	vadd.f32 v6, v1;
	v6 =	vor.u32 $0xA, v3  }
0xd5: {  	v2 =	vld.idx.msk [tilespmem:v2+s17+$0x0], $0xffff  }
0xd6: {  	v8 =	vmul.f32 v8, v38;
	v1 =	vadd.f32 v7, v1;
	v7 =	vor.u32 $0xB, v3  }
0xd7: {  	v5 =	vld.idx.msk [tilespmem:v5+s17+$0x0], $0xffff  }
0xd8: {  	v1 =	vadd.f32 v8, v1;
	v8 =	vor.u32 $0xC, v3;
	v4 =	vmul.f32 v4, v40  }
0xd9: {  	v6 =	vld.idx.msk [tilespmem:v6+s17+$0x0], $0xffff  }
0xda: {  	v1 =	vadd.f32 v4, v1;
	v4 =	vor.u32 $0xD, v3;
	v2 =	vmul.f32 v2, v41  }
0xdb: {  	v7 =	vld.idx.msk [tilespmem:v7+s17+$0x0], $0xffff  }
0xdc: {  	v1 =	vadd.f32 v2, v1;
	v2 =	vor.u32 $0xE, v3;
	v5 =	vmul.f32 v5, v42  }
0xdd: {  	v8 =	vld.idx.msk [tilespmem:v8+s17+$0x0], $0xffff  }
0xde: {  	v1 =	vadd.f32 v5, v1;
	v5 =	vor.u32 $0xF, v3;
	v6 =	vmul.f32 v6, v43  }
0xdf: {  	v4 =	vld.idx.msk [tilespmem:v4+s17+$0x0], $0xffff  }
0xe0: {  	v1 =	vadd.f32 v6, v1;
	v6 =	vor.u32 $0x10, v3;
	v7 =	vmul.f32 v7, v44  }
0xe1: {  	v2 =	vld.idx.msk [tilespmem:v2+s17+$0x0], $0xffff  }
0xe2: {  	v1 =	vadd.f32 v7, v1;
	v7 =	vor.u32 $0x11, v3;
	v8 =	vmul.f32 v8, v45  }
0xe3: {  	v5 =	vld.idx.msk [tilespmem:v5+s17+$0x0], $0xffff  }
0xe4: {  	v1 =	vadd.f32 v8, v1;
	v8 =	vor.u32 $0x12, v3;
	v4 =	vmul.f32 v4, v46  }
0xe5: {  	v6 =	vld.idx.msk [tilespmem:v6+s17+$0x0], $0xffff  }
0xe6: {  	v1 =	vadd.f32 v4, v1;
	v4 =	vor.u32 $0x13, v3;
	v2 =	vmul.f32 v2, v47  }
0xe7: {  	v7 =	vld.idx.msk [tilespmem:v7+s17+$0x0], $0xffff  }
0xe8: {  	v1 =	vadd.f32 v2, v1;
	v2 =	vor.u32 $0x14, v3;
	v5 =	vmul.f32 v5, v48  }
0xe9: {  	v8 =	vld.idx.msk [tilespmem:v8+s17+$0x0], $0xffff  }
0xea: {  	v1 =	vadd.f32 v5, v1;
	v5 =	vor.u32 $0x15, v3;
	v6 =	vmul.f32 v6, v49  }
0xeb: {  	v4 =	vld.idx.msk [tilespmem:v4+s17+$0x0], $0xffff  }
0xec: {  	v1 =	vadd.f32 v6, v1;
	v6 =	vor.u32 $0x16, v3;
	v7 =	vmul.f32 v7, v50  }
0xed: {  	v2 =	vld.idx.msk [tilespmem:v2+s17+$0x0], $0xffff  }
0xee: {  	v1 =	vadd.f32 v7, v1;
	v7 =	vor.u32 $0x17, v3;
	v8 =	vmul.f32 v8, v51  }
0xef: {  	v5 =	vld.idx.msk [tilespmem:v5+s17+$0x0], $0xffff  }
0xf0: {  	v1 =	vadd.f32 v8, v1;
	v8 =	vor.u32 $0x18, v3;
	v4 =	vmul.f32 v4, v52  }
0xf1: {  	v6 =	vld.idx.msk [tilespmem:v6+s17+$0x0], $0xffff  }
0xf2: {  	v1 =	vadd.f32 v4, v1;
	v4 =	vor.u32 $0x19, v3;
	v2 =	vmul.f32 v2, v53  }
0xf3: {  	v7 =	vld.idx.msk [tilespmem:v7+s17+$0x0], $0xffff  }
0xf4: {  	v1 =	vadd.f32 v2, v1;
	v2 =	vor.u32 $0x1A, v3;
	v5 =	vmul.f32 v5, v54  }
0xf5: {  	v8 =	vld.idx.msk [tilespmem:v8+s17+$0x0], $0xffff  }
0xf6: {  	v1 =	vadd.f32 v5, v1;
	v5 =	vor.u32 $0x1B, v3;
	v6 =	vmul.f32 v6, v55  }
0xf7: {  	v4 =	vld.idx.msk [tilespmem:v4+s17+$0x0], $0xffff  }
0xf8: {  	v1 =	vadd.f32 v6, v1;
	v6 =	vor.u32 $0x1C, v3;
	v7 =	vmul.f32 v7, v56  }
0xf9: {  	v2 =	vld.idx.msk [tilespmem:v2+s17+$0x0], $0xffff  }
0xfa: {  	v1 =	vadd.f32 v7, v1;
	v8 =	vmul.f32 v8, v57  }
0xfb: {  	v7 =	vor.u32 $0x1D, v3;
	v5 =	vld.idx.msk [tilespmem:v5+s17+$0x0], $0xffff  }
0xfc: {  	v1 =	vadd.f32 v8, v1;
	v4 =	vmul.f32 v4, v58  }
0xfd: {  	v8 =	vor.u32 $0x1E, v3;
	v6 =	vld.idx.msk [tilespmem:v6+s17+$0x0], $0xffff  }
0xfe: {  	v1 =	vadd.f32 v4, v1;
	v2 =	vmul.f32 v2, v59  }
0xff: {  	v3 =	vor.u32 $0x1F, v3  }
0x100: {  	v4 =	vld.idx.msk [tilespmem:v7+s17+$0x0], $0xffff;
	v1 =	vadd.f32 v2, v1;
	v2 =	vmul.f32 v5, v60;
	_ =	sdelay $0x1  }
0x101: {  	v5 =	vld.idx.msk [tilespmem:v8+s17+$0x0], $0xffff;
	v1 =	vadd.f32 v2, v1;
	v2 =	vmul.f32 v6, v61;
	_ =	sdelay $0x1  }
0x102: {  	v1 =	vadd.f32 v2, v1;
	v2 =	vld.idx.msk [tilespmem:v3+s17+$0x0], $0xffff  }
0x103: {  	v4 =	vmul.f32 v4, v62  }
0x104: {  	s28 =	simm.s32 $0x20  }
0x105: {  	v3 =	vadd.f32 v4, v1;
	v1 =	vmov s28;
	s28 =	simm.s32 $0x30;
	v4 =	vmul.f32 v5, v63  }
.LBB2_6:
0x106: {  	p0 =	sne.s32 s28, $0x70;
	v1 =	vshll.u32 v1, $0x5  }
0x107: {  	v2 =	vmul.f32 v2, v0;
	v1 =	vor.u32 v32, v1;
	v3 =	vadd.f32 v4, v3;
	_ =	sdelay $0x1  }
0x108: {  	v4 =	vor.u32 $0x1, v1;
	v2 =	vadd.f32 v2, v3  }
0x109: {  	s26 =	sadd.s32 $0x10, s26  }
0x10a: {  	v3 =	vor.u32 $0x2, v1;
	[tilespmem:s26+$0x0] =	vst v2  }
0x10b: {  	v2 =	vld.idx.msk [tilespmem:v1+s17+$0x0], $0xffff  }
0x10c: {  	v5 =	vor.u32 $0x3, v1  }
0x10d: {  	v4 =	vld.idx.msk [tilespmem:v4+s17+$0x0], $0xffff  }
0x10e: {  	v6 =	vor.u32 $0x4, v1  }
0x10f: {  	v3 =	vld.idx.msk [tilespmem:v3+s17+$0x0], $0xffff  }
0x110: {  	v7 =	vor.u32 $0x5, v1  }
0x111: {  	v2 =	vmul.f32 v2, v39;
	v5 =	vld.idx.msk [tilespmem:v5+s17+$0x0], $0xffff  }
0x112: {  	v8 =	vor.u32 $0x6, v1  }
0x113: {  	v2 =	vadd.f32 $0.0e+00, v2;
	v4 =	vmul.f32 v4, v37;
	v6 =	vld.idx.msk [tilespmem:v6+s17+$0x0], $0xffff  }
0x114: {  	v9 =	vor.u32 $0x7, v1  }
0x115: {  	v2 =	vadd.f32 v4, v2;
	v3 =	vmul.f32 v3, v35;
	v4 =	vld.idx.msk [tilespmem:v7+s17+$0x0], $0xffff  }
0x116: {  	v7 =	vor.u32 $0x8, v1  }
0x117: {  	v2 =	vadd.f32 v3, v2;
	v3 =	vmul.f32 v5, v33;
	v5 =	vld.idx.msk [tilespmem:v8+s17+$0x0], $0xffff  }
0x118: {  	v8 =	vor.u32 $0x9, v1  }
0x119: {  	v2 =	vadd.f32 v3, v2;
	v3 =	vmul.f32 v6, v34;
	v6 =	vld.idx.msk [tilespmem:v9+s17+$0x0], $0xffff  }
0x11a: {  	v9 =	vor.u32 $0xA, v1  }
0x11b: {  	v2 =	vadd.f32 v3, v2;
	v3 =	vmul.f32 v4, v36;
	v4 =	vld.idx.msk [tilespmem:v7+s17+$0x0], $0xffff  }
0x11c: {  	v7 =	vor.u32 $0xB, v1  }
0x11d: {  	v2 =	vadd.f32 v3, v2;
	v3 =	vmul.f32 v5, v38;
	v5 =	vld.idx.msk [tilespmem:v8+s17+$0x0], $0xffff  }
0x11e: {  	v8 =	vor.u32 $0xC, v1  }
0x11f: {  	v2 =	vadd.f32 v3, v2;
	v3 =	vmul.f32 v6, v40;
	v6 =	vld.idx.msk [tilespmem:v9+s17+$0x0], $0xffff  }
0x120: {  	v9 =	vor.u32 $0xD, v1  }
0x121: {  	v2 =	vadd.f32 v3, v2;
	v3 =	vmul.f32 v4, v41;
	v4 =	vld.idx.msk [tilespmem:v7+s17+$0x0], $0xffff  }
0x122: {  	v7 =	vor.u32 $0xE, v1  }
0x123: {  	v2 =	vadd.f32 v3, v2;
	v3 =	vmul.f32 v5, v42;
	v5 =	vld.idx.msk [tilespmem:v8+s17+$0x0], $0xffff  }
0x124: {  	v8 =	vor.u32 $0xF, v1  }
0x125: {  	v2 =	vadd.f32 v3, v2;
	v3 =	vmul.f32 v6, v43;
	v6 =	vld.idx.msk [tilespmem:v9+s17+$0x0], $0xffff  }
0x126: {  	v9 =	vor.u32 $0x10, v1  }
0x127: {  	v2 =	vadd.f32 v3, v2;
	v3 =	vmul.f32 v4, v44;
	v4 =	vld.idx.msk [tilespmem:v7+s17+$0x0], $0xffff  }
0x128: {  	v7 =	vor.u32 $0x11, v1  }
0x129: {  	v2 =	vadd.f32 v3, v2;
	v3 =	vmul.f32 v5, v45;
	v5 =	vld.idx.msk [tilespmem:v8+s17+$0x0], $0xffff  }
0x12a: {  	v8 =	vor.u32 $0x12, v1  }
0x12b: {  	v2 =	vadd.f32 v3, v2;
	v3 =	vmul.f32 v6, v46;
	v6 =	vld.idx.msk [tilespmem:v9+s17+$0x0], $0xffff  }
0x12c: {  	v9 =	vor.u32 $0x13, v1  }
0x12d: {  	v2 =	vadd.f32 v3, v2;
	v3 =	vmul.f32 v4, v47;
	v4 =	vld.idx.msk [tilespmem:v7+s17+$0x0], $0xffff  }
0x12e: {  	v7 =	vor.u32 $0x14, v1  }
0x12f: {  	v2 =	vadd.f32 v3, v2;
	v3 =	vmul.f32 v5, v48;
	v5 =	vld.idx.msk [tilespmem:v8+s17+$0x0], $0xffff  }
0x130: {  	v8 =	vor.u32 $0x15, v1  }
0x131: {  	v2 =	vadd.f32 v3, v2;
	v3 =	vmul.f32 v6, v49;
	v6 =	vld.idx.msk [tilespmem:v9+s17+$0x0], $0xffff  }
0x132: {  	v9 =	vor.u32 $0x16, v1  }
0x133: {  	v2 =	vadd.f32 v3, v2;
	v3 =	vmul.f32 v4, v50;
	v4 =	vld.idx.msk [tilespmem:v7+s17+$0x0], $0xffff  }
0x134: {  	v7 =	vor.u32 $0x17, v1  }
0x135: {  	v2 =	vadd.f32 v3, v2;
	v3 =	vmul.f32 v5, v51;
	v5 =	vld.idx.msk [tilespmem:v8+s17+$0x0], $0xffff  }
0x136: {  	v8 =	vor.u32 $0x18, v1  }
0x137: {  	v2 =	vadd.f32 v3, v2;
	v3 =	vmul.f32 v6, v52;
	v6 =	vld.idx.msk [tilespmem:v9+s17+$0x0], $0xffff  }
0x138: {  	v9 =	vor.u32 $0x19, v1  }
0x139: {  	v2 =	vadd.f32 v3, v2;
	v3 =	vmul.f32 v4, v53;
	v4 =	vld.idx.msk [tilespmem:v7+s17+$0x0], $0xffff  }
0x13a: {  	v7 =	vor.u32 $0x1A, v1  }
0x13b: {  	v2 =	vadd.f32 v3, v2;
	v3 =	vmul.f32 v5, v54;
	v5 =	vld.idx.msk [tilespmem:v8+s17+$0x0], $0xffff  }
0x13c: {  	v8 =	vor.u32 $0x1B, v1  }
0x13d: {  	v2 =	vadd.f32 v3, v2;
	v3 =	vmul.f32 v6, v55;
	v6 =	vld.idx.msk [tilespmem:v9+s17+$0x0], $0xffff  }
0x13e: {  	v9 =	vor.u32 $0x1C, v1  }
0x13f: {  	v2 =	vadd.f32 v3, v2;
	v3 =	vmul.f32 v4, v56;
	v4 =	vld.idx.msk [tilespmem:v7+s17+$0x0], $0xffff  }
0x140: {  	v7 =	vor.u32 $0x1D, v1  }
0x141: {  	v2 =	vadd.f32 v3, v2;
	v3 =	vmul.f32 v5, v57;
	v5 =	vld.idx.msk [tilespmem:v8+s17+$0x0], $0xffff  }
0x142: {  	v8 =	vor.u32 $0x1E, v1  }
0x143: {  	v2 =	vadd.f32 v3, v2;
	v3 =	vmul.f32 v6, v58;
	v6 =	vld.idx.msk [tilespmem:v9+s17+$0x0], $0xffff  }
0x144: {  	v1 =	vor.u32 $0x1F, v1  }
0x145: {  	v2 =	vadd.f32 v3, v2;
	v3 =	vmul.f32 v4, v59;
	v4 =	vld.idx.msk [tilespmem:v7+s17+$0x0], $0xffff;
	_ =	sdelay $0x1  }
0x146: {  	v2 =	vadd.f32 v3, v2;
	v3 =	vmul.f32 v5, v60;
	v5 =	vld.idx.msk [tilespmem:v8+s17+$0x0], $0xffff;
	_ =	sdelay $0x1  }
.Ltmp2:
0x147: {  	v3 =	vadd.f32 v3, v2;
	v6 =	vmul.f32 v6, v61;
	v2 =	vld.idx.msk [tilespmem:v1+s17+$0x0], $0xffff;
	(pc) =	sbr.rel @p0 .LBB2_6-.Ltmp2, $3  }
0x148: {  	_ = 	snop  }
0x149: {  	v3 =	vadd.f32 v6, v3;
	v4 =	vmul.f32 v4, v62;
	_ =	sdelay $0x1  }
0x14a: {  	v1 =	vmov s28;
	s28 =	sadd.s32 $0x10, s28;
	v3 =	vadd.f32 v4, v3;
	v4 =	vmul.f32 v5, v63  }
0x14b: {  	v1 =	vshll.u32 v1, $0x5  }
0x14c: {  	v2 =	vmul.f32 v2, v0;
	v1 =	vor.u32 v32, v1;
	v3 =	vadd.f32 v4, v3;
	_ =	sdelay $0x1  }
0x14d: {  	v4 =	vor.u32 $0x1, v1;
	v2 =	vadd.f32 v2, v3  }
0x14e: {  	s26 =	sadd.s32 $0x10, s26  }
0x14f: {  	v3 =	vor.u32 $0x2, v1;
	[tilespmem:s26+$0x0] =	vst v2  }
0x150: {  	v2 =	vld.idx.msk [tilespmem:v1+s17+$0x0], $0xffff  }
0x151: {  	v5 =	vor.u32 $0x3, v1  }
0x152: {  	v4 =	vld.idx.msk [tilespmem:v4+s17+$0x0], $0xffff  }
0x153: {  	v6 =	vor.u32 $0x4, v1  }
0x154: {  	v3 =	vld.idx.msk [tilespmem:v3+s17+$0x0], $0xffff  }
0x155: {  	v7 =	vor.u32 $0x5, v1;
	v2 =	vmul.f32 v2, v39  }
0x156: {  	v5 =	vld.idx.msk [tilespmem:v5+s17+$0x0], $0xffff  }
0x157: {  	v8 =	vor.u32 $0x6, v1;
	v4 =	vmul.f32 v4, v37;
	v2 =	vadd.f32 $0.0e+00, v2  }
0x158: {  	v6 =	vld.idx.msk [tilespmem:v6+s17+$0x0], $0xffff  }
0x159: {  	v9 =	vor.u32 $0x7, v1;
	v3 =	vmul.f32 v3, v35;
	v2 =	vadd.f32 v4, v2  }
0x15a: {  	v39 =	vld.idx.msk [tilespmem:v7+s17+$0x0], $0xffff  }
0x15b: {  	v7 =	vor.u32 $0x8, v1;
	v33 =	vmul.f32 v5, v33;
	v2 =	vadd.f32 v3, v2  }
0x15c: {  	v5 =	vld.idx.msk [tilespmem:v8+s17+$0x0], $0xffff  }
0x15d: {  	v8 =	vor.u32 $0x9, v1;
	v35 =	vmul.f32 v6, v34;
	v2 =	vadd.f32 v33, v2  }
0x15e: {  	v37 =	vld.idx.msk [tilespmem:v9+s17+$0x0], $0xffff  }
0x15f: {  	v9 =	vor.u32 $0xA, v1;
	v39 =	vmul.f32 v39, v36;
	v2 =	vadd.f32 v35, v2  }
0x160: {  	v33 =	vld.idx.msk [tilespmem:v7+s17+$0x0], $0xffff  }
0x161: {  	v34 =	vor.u32 $0xB, v1;
	v35 =	vmul.f32 v5, v38;
	v2 =	vadd.f32 v39, v2  }
0x162: {  	v36 =	vld.idx.msk [tilespmem:v8+s17+$0x0], $0xffff  }
0x163: {  	v8 =	vor.u32 $0xC, v1;
	v37 =	vmul.f32 v37, v40;
	v2 =	vadd.f32 v35, v2  }
0x164: {  	v38 =	vld.idx.msk [tilespmem:v9+s17+$0x0], $0xffff  }
0x165: {  	v9 =	vor.u32 $0xD, v1;
	v39 =	vmul.f32 v33, v41;
	v2 =	vadd.f32 v37, v2  }
0x166: {  	v40 =	vld.idx.msk [tilespmem:v34+s17+$0x0], $0xffff  }
0x167: {  	v41 =	vor.u32 $0xE, v1;
	v33 =	vmul.f32 v36, v42;
	v2 =	vadd.f32 v39, v2  }
0x168: {  	v34 =	vld.idx.msk [tilespmem:v8+s17+$0x0], $0xffff  }
0x169: {  	v8 =	vor.u32 $0xF, v1;
	v35 =	vmul.f32 v38, v43;
	v2 =	vadd.f32 v33, v2  }
0x16a: {  	v36 =	vld.idx.msk [tilespmem:v9+s17+$0x0], $0xffff  }
0x16b: {  	v9 =	vor.u32 $0x10, v1;
	v37 =	vmul.f32 v40, v44;
	v2 =	vadd.f32 v35, v2  }
0x16c: {  	v38 =	vld.idx.msk [tilespmem:v41+s17+$0x0], $0xffff  }
0x16d: {  	v40 =	vmul.f32 v34, v45;
	v39 =	vor.u32 $0x11, v1;
	v2 =	vadd.f32 v37, v2  }
0x16e: {  	v41 =	vld.idx.msk [tilespmem:v8+s17+$0x0], $0xffff  }
0x16f: {  	v8 =	vor.u32 $0x12, v1;
	v42 =	vmul.f32 v36, v46;
	v2 =	vadd.f32 v40, v2  }
0x170: {  	v43 =	vld.idx.msk [tilespmem:v9+s17+$0x0], $0xffff  }
0x171: {  	v9 =	vor.u32 $0x13, v1;
	v44 =	vmul.f32 v38, v47;
	v2 =	vadd.f32 v42, v2  }
0x172: {  	v45 =	vld.idx.msk [tilespmem:v39+s17+$0x0], $0xffff  }
0x173: {  	v46 =	vor.u32 $0x14, v1;
	v47 =	vmul.f32 v41, v48;
	v2 =	vadd.f32 v44, v2  }
0x174: {  	v48 =	vld.idx.msk [tilespmem:v8+s17+$0x0], $0xffff  }
0x175: {  	v8 =	vor.u32 $0x15, v1;
	v33 =	vmul.f32 v43, v49;
	v2 =	vadd.f32 v47, v2  }
0x176: {  	v34 =	vld.idx.msk [tilespmem:v9+s17+$0x0], $0xffff  }
0x177: {  	v9 =	vor.u32 $0x16, v1;
	v35 =	vmul.f32 v45, v50;
	v2 =	vadd.f32 v33, v2  }
0x178: {  	v36 =	vld.idx.msk [tilespmem:v46+s17+$0x0], $0xffff  }
0x179: {  	v37 =	vor.u32 $0x17, v1;
	v38 =	vmul.f32 v48, v51;
	v2 =	vadd.f32 v35, v2  }
0x17a: {  	v39 =	vld.idx.msk [tilespmem:v8+s17+$0x0], $0xffff  }
0x17b: {  	v8 =	vor.u32 $0x18, v1;
	v40 =	vmul.f32 v34, v52;
	v2 =	vadd.f32 v38, v2  }
0x17c: {  	v41 =	vld.idx.msk [tilespmem:v9+s17+$0x0], $0xffff  }
0x17d: {  	v9 =	vor.u32 $0x19, v1;
	v42 =	vmul.f32 v36, v53;
	v2 =	vadd.f32 v40, v2  }
0x17e: {  	v43 =	vld.idx.msk [tilespmem:v37+s17+$0x0], $0xffff  }
0x17f: {  	v44 =	vor.u32 $0x1A, v1;
	v45 =	vmul.f32 v39, v54;
	v2 =	vadd.f32 v42, v2  }
0x180: {  	v46 =	vld.idx.msk [tilespmem:v8+s17+$0x0], $0xffff  }
0x181: {  	v8 =	vor.u32 $0x1B, v1;
	v47 =	vmul.f32 v41, v55;
	v2 =	vadd.f32 v45, v2  }
0x182: {  	v48 =	vld.idx.msk [tilespmem:v9+s17+$0x0], $0xffff  }
0x183: {  	v49 =	vmul.f32 v43, v56;
	v9 =	vor.u32 $0x1C, v1;
	v2 =	vadd.f32 v47, v2  }
0x184: {  	v50 =	vld.idx.msk [tilespmem:v44+s17+$0x0], $0xffff  }
0x185: {  	v51 =	vor.u32 $0x1D, v1;
	v52 =	vmul.f32 v46, v57;
	v2 =	vadd.f32 v49, v2  }
0x186: {  	v53 =	vld.idx.msk [tilespmem:v8+s17+$0x0], $0xffff  }
0x187: {  	v8 =	vor.u32 $0x1E, v1;
	v54 =	vmul.f32 v48, v58;
	v2 =	vadd.f32 v52, v2  }
0x188: {  	v55 =	vld.idx.msk [tilespmem:v9+s17+$0x0], $0xffff  }
0x189: {  	v1 =	vor.u32 $0x1F, v1;
	v56 =	vmul.f32 v50, v59;
	v2 =	vadd.f32 v54, v2  }
0x18a: {  	v57 =	vld.idx.msk [tilespmem:v51+s17+$0x0], $0xffff  }
0x18b: {  	v58 =	vmul.f32 v53, v60;
	v2 =	vadd.f32 v56, v2  }
0x18c: {  	v59 =	vld.idx.msk [tilespmem:v8+s17+$0x0], $0xffff  }
0x18d: {  	v60 =	vmul.f32 v55, v61;
	v2 =	vadd.f32 v58, v2  }
0x18e: {  	v1 =	vld.idx.msk [tilespmem:v1+s17+$0x0], $0xffff  }
0x18f: {  	v61 =	vmul.f32 v57, v62;
	v2 =	vadd.f32 v60, v2;
	_ =	sdelay $0x1  }
0x190: {  	v62 =	vmul.f32 v59, v63;
	v2 =	vadd.f32 v61, v2;
	_ =	sdelay $0x1  }
0x191: {  	v63 =	vmul.f32 v1, v0;
	v2 =	vadd.f32 v62, v2;
	_ =	sdelay $0x1  }
0x192: {  	s25 =	sadd.s32 $0x1, s25;
	v0 =	vadd.f32 v63, v2  }
0x193: {  	p0 =	sne.s32 s25, s11;
	s26 =	sadd.s32 $0x10, s26  }
.Ltmp3:
0x194: {  	[tilespmem:s26+$0x0] =	vst v0;
	(pc) =	sbr.rel @p0 .LBB2_1-.Ltmp3, $4  }
0x195: {  	[hbm4b:s10+s2] =	stream.linear.scatter [tilespmem:s24], [sflag:$0x4], $0x80, $0x38;
	[tilespmem:$0x3470] =	vst v63  }
0x196: {  	_ =	swait.ge [sflag:s12], $0x80  }
0x197: {  	[sflag:s12] =	ssyncset.done $0x0  }
0x198: {  	[sflag:s12] =	ssyncadd.s32 $0xFFFFFF80  }
0x199: {  	_ =	sfence.sel $0x180000  }
0x19a: {  	[bflag:$0x0] =	sbarrier.arrive $0xFFFF  }
0x19b: {  	p0 =	sne.s32 s3, $0x0;
	_ =	strace $0x90000047  }
0x19c: {  	s0 =	sadd.s32 @!p0 $0x100000, s0;
	[bflag:$0x2] =	sbarrier.arrive $0xFFFF  }
0x19d: {  	[sflag:s0] =	ssyncadd.tile.s32 @!p0 $0x1;
	_ =	shalt  }
.Lfunc_end2:
_tile_overlayer_lowered:
.L_overlay_start_2:
0x19e: {  	(tag) =	ssettag $0x2  }
0x19f: {  	s0 =	rddreg [dreg:$0x0];
	s2 =	stileid.u32  }
0x1a0: {  	s1 =	rddreg [dreg:$0x1];
	p0 =	sne.s32 s2, $0x0  }
0x1a1: {  	s3 =	rddreg [dreg:$0x2];
	[bflag:$0x3] =	sbarrier.arrive $0xFFFF;
	s2 =	simm.s32 @!p0 $0x1C04  }
0x1a2: {  	[timem:s3], [sflag:s2] =	dma.local @!p0 [hbm:s0], s1  }
0x1a3: {  	s0 =	simm.s32 @!p0 $0x4  }
0x1a4: {  	_ =	swait.ge @!p0 [sflag:s0], s1  }
0x1a5: {  	s1 =	ssub.s32 @!p0 $0x0, s1;
	[sflag:s0] =	ssyncset.done @!p0 $0x0  }
0x1a6: {  	[sflag:s0] =	ssyncadd.s32 @!p0 s1  }
0x1a7: {  	[bflag:$0x3] =	sbarrier.arrive $0xFFFF  }
0x1a8: {  	_ =	shalt  }

</sc_bundles>
